<compile_context>
chip_gen: v7x
topology: tpu7x:2x2x1
jax: 0.10.2.dev20260603
libtpu: 0.0.44.dev20260713+nightly
codegen_flags: <defaults>
</compile_context>

<pallas_src>
import functools
import math

import jax
import jax.numpy as jnp
from jax import lax
from jax.experimental import pallas as pl
from jax.experimental.pallas import tpu as pltpu
from jax.experimental.pallas import tpu_sc as plsc

B = 16
L = 4096
N = 32768
D = 64
H = 32
LANES = 16

SCALE = 400.0 / math.log(10.0)

ROWS = 8192
UNROLL = 4
GRP = UNROLL * LANES
WIN = 4160
NP = 40960


def _mlp_body(xt_ref, w1t_ref, b1_ref, wrt_ref, wzt_ref, br_ref,
              r_ref, z_ref):
    ht = jnp.dot(w1t_ref[...], xt_ref[...], preferred_element_type=jnp.float32)
    ht = jnp.maximum(ht + b1_ref[...][:, None], 0.0)
    wrz = jnp.concatenate([wrt_ref[...], wzt_ref[...]], axis=0)
    rzt = jnp.dot(wrz, ht, preferred_element_type=jnp.float32)
    r_ref[...] = rzt[0] + br_ref[0]
    z_ref[...] = rzt[1]


def _tc_mlp(xt, W1t, b1, Wrt, Wzt, br):
    nblk = N // ROWS
    return pl.pallas_call(
        _mlp_body,
        grid=(nblk,),
        in_specs=[
            pl.BlockSpec((D, ROWS), lambda i: (0, i)),
            pl.BlockSpec((H, D), lambda i: (0, 0)),
            pl.BlockSpec((H,), lambda i: (0,)),
            pl.BlockSpec((1, H), lambda i: (0, 0)),
            pl.BlockSpec((1, H), lambda i: (0, 0)),
            pl.BlockSpec((1,), lambda i: (0,)),
        ],
        out_specs=[
            pl.BlockSpec((ROWS,), lambda i: (i,)),
            pl.BlockSpec((ROWS,), lambda i: (i,)),
        ],
        out_shape=[
            jax.ShapeDtypeStruct((NP,), jnp.float32),
            jax.ShapeDtypeStruct((NP,), jnp.float32),
        ],
    )(xt, W1t, b1, Wrt, Wzt, br)


def _lane_iota():
    return lax.iota(jnp.int32, LANES)


_GAT_DNUMS = lax.GatherDimensionNumbers(
    offset_dims=(), collapsed_slice_dims=(0,), start_index_map=(0,))


def _gat(x, idx):
    return lax.gather(x, idx[:, None], _GAT_DNUMS, slice_sizes=(1,),
                      mode=lax.GatherScatterMode.PROMISE_IN_BOUNDS)


def _bfly_sum(x):
    lane = _lane_iota()
    for k in (8, 4, 2, 1):
        x = x + _gat(x, lane ^ k)
    return x


def _bfly_max(x):
    lane = _lane_iota()
    for k in (8, 4, 2, 1):
        x = jnp.maximum(x, _gat(x, lane ^ k))
    return x


def _prefix_sum(x):
    lane = _lane_iota()
    for k in (1, 2, 4, 8):
        sh = _gat(x, jnp.maximum(lane - k, 0))
        x = x + jnp.where(lane >= k, sh, jnp.zeros_like(x))
    return x


def _sc_pool(r, z, xlens):
    mesh = plsc.VectorSubcoreMesh(core_axis_name="c", subcore_axis_name="s")

    @functools.partial(
        pl.kernel,
        out_type=jax.ShapeDtypeStruct((B,), jnp.float32),
        mesh=mesh,
        scratch_types=[
            pltpu.VMEM((LANES,), jnp.int32),
            pltpu.VMEM((WIN,), jnp.float32),
            pltpu.VMEM((WIN,), jnp.float32),
            pltpu.VMEM((LANES,), jnp.float32),
            pltpu.VMEM((B * LANES,), jnp.float32),
            pltpu.VMEM_SHARED((B * LANES,), jnp.float32),
            pltpu.SemaphoreType.DMA,
            pltpu.SemaphoreType.DMA,
        ],
    )
    def k(r_hbm, z_hbm, xl_hbm, out_hbm,
          xl_v, r_v, z_v, o_v, acc_v, sh, sem_r, sem_z):
        c = lax.axis_index("c")
        s = lax.axis_index("s")

        @pl.when(c == 0)
        def _():
            pltpu.sync_copy(xl_hbm, xl_v)
            xl = xl_v[...].astype(jnp.float32)
            incl_raw = _prefix_sum(xl)
            cli = jnp.minimum(incl_raw, float(N))
            cle = jnp.minimum(incl_raw - xl, float(N))
            sel = _lane_iota() == s
            zero = jnp.zeros((LANES,), jnp.float32)
            hi = _bfly_sum(jnp.where(sel, cli, zero))[0].astype(jnp.int32)
            lo = _bfly_sum(jnp.where(sel, cle, zero))[0].astype(jnp.int32)

            @pl.when(hi > lo)
            def _nonempty():
                start0 = pl.multiple_of(lo & (-8), 8)
                cpz = pltpu.async_copy(z_hbm.at[pl.ds(start0, WIN)], z_v, sem_z)
                cpr = pltpu.async_copy(r_hbm.at[pl.ds(start0, WIN)], r_v, sem_r)
                lane = _lane_iota()
                ninf = jnp.full((LANES,), -jnp.inf, jnp.float32)
                a = lo - start0
                bsz = hi - start0
                ngrp = (bsz + (GRP - 1)) // GRP
                gh = jnp.minimum((a + (GRP - 1)) // GRP, ngrp)
                gm = jnp.maximum(bsz // GRP, gh)

                cpz.wait()

                def max_masked(g, mcur):
                    base = g * GRP
                    for u in range(UNROLL):
                        off = base + u * LANES
                        idx = (start0 + off) + lane
                        zv = z_v[pl.ds(off, LANES)]
                        msk = (idx >= lo) & (idx < hi)
                        mcur = jnp.maximum(mcur, jnp.where(msk, zv, ninf))
                    return mcur

                def max_mid(g, mcur):
                    base = g * GRP
                    for u in range(UNROLL):
                        mcur = jnp.maximum(mcur, z_v[pl.ds(base + u * LANES,
                                                          LANES)])
                    return mcur

                mvec = lax.fori_loop(0, gh, max_masked, ninf)
                mvec = lax.fori_loop(gh, gm, max_mid, mvec)
                mvec = lax.fori_loop(gm, ngrp, max_masked, mvec)
                msegv = _bfly_max(mvec)

                cpr.wait()

                def sum_masked(g, carry):
                    sv, nv = carry
                    base = g * GRP
                    for u in range(UNROLL):
                        off = base + u * LANES
                        idx = (start0 + off) + lane
                        zv = z_v[pl.ds(off, LANES)]
                        rv = r_v[pl.ds(off, LANES)]
                        msk = (idx >= lo) & (idx < hi)
                        ez = jnp.where(msk, jnp.exp(zv - msegv), 0.0)
                        sv = sv + ez
                        nv = nv + ez * rv
                    return (sv, nv)

                def sum_mid(g, carry):
                    sv, nv = carry
                    base = g * GRP
                    for u in range(UNROLL):
                        off = base + u * LANES
                        ez = jnp.exp(z_v[pl.ds(off, LANES)] - msegv)
                        sv = sv + ez
                        nv = nv + ez * r_v[pl.ds(off, LANES)]
                    return (sv, nv)

                zero2 = (jnp.zeros((LANES,), jnp.float32),
                         jnp.zeros((LANES,), jnp.float32))
                sv, nv = lax.fori_loop(0, gh, sum_masked, zero2)
                sv, nv = lax.fori_loop(gh, gm, sum_mid, (sv, nv))
                sv, nv = lax.fori_loop(gm, ngrp, sum_masked, (sv, nv))
                ssum = _bfly_sum(sv)
                nsum = _bfly_sum(nv)
                val = SCALE * (nsum / ssum)
                o_v[...] = jnp.where(sel, val, zero)

            @pl.when(hi <= lo)
            def _empty():
                o_v[...] = jnp.zeros((LANES,), jnp.float32)

            pltpu.sync_copy(o_v, sh.at[pl.ds(s * LANES, LANES)])
            plsc.subcore_barrier()

            @pl.when(s == 0)
            def _combine():
                pltpu.sync_copy(sh, acc_v)
                acc = acc_v[pl.ds(0, LANES)]
                for j in range(1, B):
                    acc = acc + acc_v[pl.ds(j * LANES, LANES)]
                o_v[...] = acc
                pltpu.sync_copy(o_v, out_hbm)

    return k(r, z, xlens)


def kernel(x, xlens, W1, b1, Wr, br, Wz, bz):
    del bz
    xt = pltpu.with_memory_space_constraint(x.T, pltpu.HBM)
    W1t = pltpu.with_memory_space_constraint(W1.T, pltpu.HBM)
    Wrt = pltpu.with_memory_space_constraint(Wr.T, pltpu.HBM)
    Wzt = pltpu.with_memory_space_constraint(Wz.T, pltpu.HBM)
    r, z = _tc_mlp(xt, W1t, b1, Wrt, Wzt, br)
    return _sc_pool(r, z, xlens)

# --- scband reference (transcript-rebuilt; emitter-appended) ---
"""Pipeline reference for scband-strength-net-40699110097065 (READ-ONLY COPY).

The authoritative reference and input builder live on the scoring server;
editing this copy changes nothing except your own understanding.
"""

import math
import jax, jax.numpy as jnp
import numpy as np

B = 16
L = 4096
N = 32768
D = 64
H = 32


def setup_inputs(seed: int = 0) -> dict:
    key = jax.random.key(seed)
    ks = jax.random.split(key, 8)
    x = jax.random.normal(ks[0], (N, D), dtype=jnp.float32)
    xlens = jax.random.randint(ks[1], (B,), 0, L, dtype=jnp.int32)
    W1 = jax.random.normal(ks[2], (D, H), dtype=jnp.float32) * (1.0 / math.sqrt(D))
    b1 = jnp.zeros((H,), dtype=jnp.float32)
    Wr = jax.random.normal(ks[3], (H, 1), dtype=jnp.float32) * (1.0 / math.sqrt(H))
    br = jnp.zeros((1,), dtype=jnp.float32)
    Wz = jax.random.normal(ks[4], (H, 1), dtype=jnp.float32) * (1.0 / math.sqrt(H))
    bz = jnp.zeros((1,), dtype=jnp.float32)
    return {"x": x, "xlens": xlens, "W1": W1, "b1": b1, "Wr": Wr, "br": br, "Wz": Wz, "bz": bz}


def reference(x, xlens, W1, b1, Wr, br, Wz, bz):
    SCALE = 400.0 / math.log(10.0)
    n = x.shape[0]
    h = jax.nn.relu(x @ W1 + b1)
    r = (h @ Wr)[:, 0] + br[0]
    z = (h @ Wz)[:, 0] + bz[0]
    cl = jnp.concatenate([jnp.zeros((1,), dtype=jnp.int32), jnp.cumsum(xlens).astype(jnp.int32)])
    cl = jnp.clip(cl, 0, n)
    # token i belongs to segment j iff cl[j] <= i < cl[j+1]; empty segments get no tokens
    seg = jnp.searchsorted(cl[1:], jnp.arange(n, dtype=jnp.int32), side="right")
    # bucket B collects tokens past the last boundary (dropped)
    m = jax.ops.segment_max(z, seg, num_segments=B + 1)
    m_safe = jnp.where(jnp.isfinite(m), m, 0.0)
    ez = jnp.exp(z - m_safe[seg])
    denom = jax.ops.segment_sum(ez, seg, num_segments=B + 1)
    w = ez / denom[seg]
    preds = jax.ops.segment_sum(w * r, seg, num_segments=B + 1)[:B]
    # empty segments yield 0, matching torch.tensor(0) in the original
    return SCALE * preds

if __name__ == "__main__":
    import jax
    _d = setup_inputs()
    print(jax.jit(kernel)(*tuple(_d.values())))

</pallas_src>

<mosaic_0001>
#map = affine_map<(d0, d1) -> (0)>
module attributes {stable_mosaic.version = 14 : i64} {
  func.func @k(%arg0: i32, %arg1: i32, %arg2: memref<40960xf32, #tpu.memory_space<hbm>>, %arg3: memref<40960xf32, #tpu.memory_space<hbm>>, %arg4: memref<16xi32, #tpu.memory_space<hbm>>, %arg5: memref<16xf32, #tpu.memory_space<hbm>>, %arg6: memref<16xi32, #tpu.memory_space<vmem>>, %arg7: memref<4160xf32, #tpu.memory_space<vmem>>, %arg8: memref<4160xf32, #tpu.memory_space<vmem>>, %arg9: memref<16xf32, #tpu.memory_space<vmem>>, %arg10: memref<256xf32, #tpu.memory_space<vmem>>, %arg11: memref<256xf32, #tpu.memory_space<vmem_shared>>, %arg12: memref<!tpu.dma_semaphore, #tpu.memory_space<semaphore_mem>>, %arg13: memref<!tpu.dma_semaphore, #tpu.memory_space<semaphore_mem>>) attributes {dimension_semantics = [#tpu.dimension_semantics<core_parallel>, #tpu.dimension_semantics<subcore_parallel>], iteration_bounds = array<i64: 2, 16>, scalar_prefetch = 0 : i64, scratch_operands = 8 : i64, tpu.core_type = #tpu.core_type<sc_vector_subcore>, window_params = [{transform_indices = #map}, {transform_indices = #map}, {transform_indices = #map}, {transform_indices = #map}]} {
    %eq3A = arith.constant 0 : i32
    %eq3A_0 = arith.cmpi eq, %arg0, %eq3A : i32
    %convert_element_type3A = arith.extui %eq3A_0 : i1 to i32
    %cond3A = arith.constant 0 : i32
    %cond3A_1 = arith.cmpi ne, %convert_element_type3A, %cond3A : i32
    scf.if %cond3A_1 {
      "tpu.region"() ({
        %run_scoped3A = tpu.sem_alloc : memref<!tpu.dma_semaphore, #tpu.memory_space<semaphore_mem>>
        tpu.enqueue_dma source(%arg4 : memref<16xi32, #tpu.memory_space<hbm>>) target(%arg6 : memref<16xi32, #tpu.memory_space<vmem>>) target_semaphore(%run_scoped3A : memref<!tpu.dma_semaphore, #tpu.memory_space<semaphore_mem>>)
        tpu.wait_dma2 semaphore(%run_scoped3A : memref<!tpu.dma_semaphore, #tpu.memory_space<semaphore_mem>>) src(%arg4 : memref<16xi32, #tpu.memory_space<hbm>>) dst(%arg6 : memref<16xi32, #tpu.memory_space<vmem>>)
        tpu.yield
      }) : () -> ()
      %get3A = arith.constant 0 : index
      %get3A_2 = tpu.vector_load %arg6[%get3A] {strides = array<i32>} : memref<16xi32, #tpu.memory_space<vmem>>, vector<16xi32>,
      %get3A_3 = vector.shape_cast %get3A_2 : vector<16xi32> to vector<16xi32>
      %convert_element_type3A_4 = arith.sitofp %get3A_3 : vector<16xi32> to vector<16xf32>
      %iota3A = tpu.iota {dimensions = array<i32: 0>} : vector<16xi32>
      %sub3A = arith.constant 1 : i32
      %sub3A_5 = vector.broadcast %sub3A : i32 to vector<16xi32>
      %sub3A_6 = arith.subi %iota3A, %sub3A_5 : vector<16xi32>
      %max3A = arith.constant 0 : i32
      %max3A_7 = vector.broadcast %max3A : i32 to vector<16xi32>
      %max3A_8 = arith.maxsi %sub3A_6, %max3A_7 : vector<16xi32>
      %broadcast_in_dim3A = vector.shape_cast %max3A_8 : vector<16xi32> to vector<16x1xi32>
      %gather3A = vector.shape_cast %broadcast_in_dim3A : vector<16x1xi32> to vector<16xi32>
      %gather3A_9 = tpu.dynamic_gather %convert_element_type3A_4[%gather3A] in [0] : vector<16xf32>, vector<16xi32> -> vector<16xf32>
      %ge3A = arith.constant 1 : i32
      %ge3A_10 = vector.broadcast %ge3A : i32 to vector<16xi32>
      %ge3A_11 = arith.cmpi sge, %iota3A, %ge3A_10 : vector<16xi32>
      %broadcast_in_dim3A_12 = arith.constant 0.000000e+00 : f32
      %broadcast_in_dim3A_13 = vector.broadcast %broadcast_in_dim3A_12 : f32 to vector<16xf32>
      %select_n3A = arith.select %ge3A_11, %gather3A_9, %broadcast_in_dim3A_13 : vector<16xi1>, vector<16xf32>
      %add3A = arith.addf %convert_element_type3A_4, %select_n3A : vector<16xf32>
      %sub3A_14 = arith.constant 2 : i32
      %sub3A_15 = vector.broadcast %sub3A_14 : i32 to vector<16xi32>
      %sub3A_16 = arith.subi %iota3A, %sub3A_15 : vector<16xi32>
      %max3A_17 = arith.constant 0 : i32
      %max3A_18 = vector.broadcast %max3A_17 : i32 to vector<16xi32>
      %max3A_19 = arith.maxsi %sub3A_16, %max3A_18 : vector<16xi32>
      %broadcast_in_dim3A_20 = vector.shape_cast %max3A_19 : vector<16xi32> to vector<16x1xi32>
      %gather3A_21 = vector.shape_cast %broadcast_in_dim3A_20 : vector<16x1xi32> to vector<16xi32>
      %gather3A_22 = tpu.dynamic_gather %add3A[%gather3A_21] in [0] : vector<16xf32>, vector<16xi32> -> vector<16xf32>
      %ge3A_23 = arith.constant 2 : i32
      %ge3A_24 = vector.broadcast %ge3A_23 : i32 to vector<16xi32>
      %ge3A_25 = arith.cmpi sge, %iota3A, %ge3A_24 : vector<16xi32>
      %broadcast_in_dim3A_26 = arith.constant 0.000000e+00 : f32
      %broadcast_in_dim3A_27 = vector.broadcast %broadcast_in_dim3A_26 : f32 to vector<16xf32>
      %select_n3A_28 = arith.select %ge3A_25, %gather3A_22, %broadcast_in_dim3A_27 : vector<16xi1>, vector<16xf32>
      %add3A_29 = arith.addf %add3A, %select_n3A_28 : vector<16xf32>
      %sub3A_30 = arith.constant 4 : i32
      %sub3A_31 = vector.broadcast %sub3A_30 : i32 to vector<16xi32>
      %sub3A_32 = arith.subi %iota3A, %sub3A_31 : vector<16xi32>
      %max3A_33 = arith.constant 0 : i32
      %max3A_34 = vector.broadcast %max3A_33 : i32 to vector<16xi32>
      %max3A_35 = arith.maxsi %sub3A_32, %max3A_34 : vector<16xi32>
      %broadcast_in_dim3A_36 = vector.shape_cast %max3A_35 : vector<16xi32> to vector<16x1xi32>
      %gather3A_37 = vector.shape_cast %broadcast_in_dim3A_36 : vector<16x1xi32> to vector<16xi32>
      %gather3A_38 = tpu.dynamic_gather %add3A_29[%gather3A_37] in [0] : vector<16xf32>, vector<16xi32> -> vector<16xf32>
      %ge3A_39 = arith.constant 4 : i32
      %ge3A_40 = vector.broadcast %ge3A_39 : i32 to vector<16xi32>
      %ge3A_41 = arith.cmpi sge, %iota3A, %ge3A_40 : vector<16xi32>
      %broadcast_in_dim3A_42 = arith.constant 0.000000e+00 : f32
      %broadcast_in_dim3A_43 = vector.broadcast %broadcast_in_dim3A_42 : f32 to vector<16xf32>
      %select_n3A_44 = arith.select %ge3A_41, %gather3A_38, %broadcast_in_dim3A_43 : vector<16xi1>, vector<16xf32>
      %add3A_45 = arith.addf %add3A_29, %select_n3A_44 : vector<16xf32>
      %sub3A_46 = arith.constant 8 : i32
      %sub3A_47 = vector.broadcast %sub3A_46 : i32 to vector<16xi32>
      %sub3A_48 = arith.subi %iota3A, %sub3A_47 : vector<16xi32>
      %max3A_49 = arith.constant 0 : i32
      %max3A_50 = vector.broadcast %max3A_49 : i32 to vector<16xi32>
      %max3A_51 = arith.maxsi %sub3A_48, %max3A_50 : vector<16xi32>
      %broadcast_in_dim3A_52 = vector.shape_cast %max3A_51 : vector<16xi32> to vector<16x1xi32>
      %gather3A_53 = vector.shape_cast %broadcast_in_dim3A_52 : vector<16x1xi32> to vector<16xi32>
      %gather3A_54 = tpu.dynamic_gather %add3A_45[%gather3A_53] in [0] : vector<16xf32>, vector<16xi32> -> vector<16xf32>
      %ge3A_55 = arith.constant 8 : i32
      %ge3A_56 = vector.broadcast %ge3A_55 : i32 to vector<16xi32>
      %ge3A_57 = arith.cmpi sge, %iota3A, %ge3A_56 : vector<16xi32>
      %broadcast_in_dim3A_58 = arith.constant 0.000000e+00 : f32
      %broadcast_in_dim3A_59 = vector.broadcast %broadcast_in_dim3A_58 : f32 to vector<16xf32>
      %select_n3A_60 = arith.select %ge3A_57, %gather3A_54, %broadcast_in_dim3A_59 : vector<16xi1>, vector<16xf32>
      %add3A_61 = arith.addf %add3A_45, %select_n3A_60 : vector<16xf32>
      %min3A = arith.constant 3.276800e+04 : f32
      %min3A_62 = vector.broadcast %min3A : f32 to vector<16xf32>
      %min3A_63 = arith.minimumf %add3A_61, %min3A_62 : vector<16xf32>
      %sub3A_64 = arith.subf %add3A_61, %convert_element_type3A_4 : vector<16xf32>
      %min3A_65 = arith.constant 3.276800e+04 : f32
      %min3A_66 = vector.broadcast %min3A_65 : f32 to vector<16xf32>
      %min3A_67 = arith.minimumf %sub3A_64, %min3A_66 : vector<16xf32>
      %iota3A_68 = tpu.iota {dimensions = array<i32: 0>} : vector<16xi32>
      %eq3A_69 = vector.broadcast %arg1 : i32 to vector<16xi32>
      %eq3A_70 = arith.cmpi eq, %iota3A_68, %eq3A_69 : vector<16xi32>
      %broadcast_in_dim3A_71 = arith.constant 0.000000e+00 : f32
      %broadcast_in_dim3A_72 = vector.broadcast %broadcast_in_dim3A_71 : f32 to vector<16xf32>
      %select_n3A_73 = arith.select %eq3A_70, %min3A_63, %broadcast_in_dim3A_72 : vector<16xi1>, vector<16xf32>
      %iota3A_74 = tpu.iota {dimensions = array<i32: 0>} : vector<16xi32>
      %xor3A = arith.constant 8 : i32
      %xor3A_75 = vector.broadcast %xor3A : i32 to vector<16xi32>
      %xor3A_76 = arith.xori %iota3A_74, %xor3A_75 : vector<16xi32>
      %broadcast_in_dim3A_77 = vector.shape_cast %xor3A_76 : vector<16xi32> to vector<16x1xi32>
      %gather3A_78 = vector.shape_cast %broadcast_in_dim3A_77 : vector<16x1xi32> to vector<16xi32>
      %gather3A_79 = tpu.dynamic_gather %select_n3A_73[%gather3A_78] in [0] : vector<16xf32>, vector<16xi32> -> vector<16xf32>
      %add3A_80 = arith.addf %select_n3A_73, %gather3A_79 : vector<16xf32>
      %xor3A_81 = arith.constant 4 : i32
      %xor3A_82 = vector.broadcast %xor3A_81 : i32 to vector<16xi32>
      %xor3A_83 = arith.xori %iota3A_74, %xor3A_82 : vector<16xi32>
      %broadcast_in_dim3A_84 = vector.shape_cast %xor3A_83 : vector<16xi32> to vector<16x1xi32>
      %gather3A_85 = vector.shape_cast %broadcast_in_dim3A_84 : vector<16x1xi32> to vector<16xi32>
      %gather3A_86 = tpu.dynamic_gather %add3A_80[%gather3A_85] in [0] : vector<16xf32>, vector<16xi32> -> vector<16xf32>
      %add3A_87 = arith.addf %add3A_80, %gather3A_86 : vector<16xf32>
      %xor3A_88 = arith.constant 2 : i32
      %xor3A_89 = vector.broadcast %xor3A_88 : i32 to vector<16xi32>
      %xor3A_90 = arith.xori %iota3A_74, %xor3A_89 : vector<16xi32>
      %broadcast_in_dim3A_91 = vector.shape_cast %xor3A_90 : vector<16xi32> to vector<16x1xi32>
      %gather3A_92 = vector.shape_cast %broadcast_in_dim3A_91 : vector<16x1xi32> to vector<16xi32>
      %gather3A_93 = tpu.dynamic_gather %add3A_87[%gather3A_92] in [0] : vector<16xf32>, vector<16xi32> -> vector<16xf32>
      %add3A_94 = arith.addf %add3A_87, %gather3A_93 : vector<16xf32>
      %xor3A_95 = arith.constant 1 : i32
      %xor3A_96 = vector.broadcast %xor3A_95 : i32 to vector<16xi32>
      %xor3A_97 = arith.xori %iota3A_74, %xor3A_96 : vector<16xi32>
      %broadcast_in_dim3A_98 = vector.shape_cast %xor3A_97 : vector<16xi32> to vector<16x1xi32>
      %gather3A_99 = vector.shape_cast %broadcast_in_dim3A_98 : vector<16x1xi32> to vector<16xi32>
      %gather3A_100 = tpu.dynamic_gather %add3A_94[%gather3A_99] in [0] : vector<16xf32>, vector<16xi32> -> vector<16xf32>
      %add3A_101 = arith.addf %add3A_94, %gather3A_100 : vector<16xf32>
      %slice3A = vector.extract_strided_slice %add3A_101 {offsets = [0], sizes = [1], strides = [1]} : vector<16xf32> to vector<1xf32>
      %squeeze3A = vector.extract %slice3A[0] : f32 from vector<1xf32>
      %convert_element_type3A_102 = arith.fptosi %squeeze3A : f32 to i32
      %select_n3A_103 = arith.select %eq3A_70, %min3A_67, %broadcast_in_dim3A_72 : vector<16xi1>, vector<16xf32>
      %iota3A_104 = tpu.iota {dimensions = array<i32: 0>} : vector<16xi32>
      %xor3A_105 = arith.constant 8 : i32
      %xor3A_106 = vector.broadcast %xor3A_105 : i32 to vector<16xi32>
      %xor3A_107 = arith.xori %iota3A_104, %xor3A_106 : vector<16xi32>
      %broadcast_in_dim3A_108 = vector.shape_cast %xor3A_107 : vector<16xi32> to vector<16x1xi32>
      %gather3A_109 = vector.shape_cast %broadcast_in_dim3A_108 : vector<16x1xi32> to vector<16xi32>
      %gather3A_110 = tpu.dynamic_gather %select_n3A_103[%gather3A_109] in [0] : vector<16xf32>, vector<16xi32> -> vector<16xf32>
      %add3A_111 = arith.addf %select_n3A_103, %gather3A_110 : vector<16xf32>
      %xor3A_112 = arith.constant 4 : i32
      %xor3A_113 = vector.broadcast %xor3A_112 : i32 to vector<16xi32>
      %xor3A_114 = arith.xori %iota3A_104, %xor3A_113 : vector<16xi32>
      %broadcast_in_dim3A_115 = vector.shape_cast %xor3A_114 : vector<16xi32> to vector<16x1xi32>
      %gather3A_116 = vector.shape_cast %broadcast_in_dim3A_115 : vector<16x1xi32> to vector<16xi32>
      %gather3A_117 = tpu.dynamic_gather %add3A_111[%gather3A_116] in [0] : vector<16xf32>, vector<16xi32> -> vector<16xf32>
      %add3A_118 = arith.addf %add3A_111, %gather3A_117 : vector<16xf32>
      %xor3A_119 = arith.constant 2 : i32
      %xor3A_120 = vector.broadcast %xor3A_119 : i32 to vector<16xi32>
      %xor3A_121 = arith.xori %iota3A_104, %xor3A_120 : vector<16xi32>
      %broadcast_in_dim3A_122 = vector.shape_cast %xor3A_121 : vector<16xi32> to vector<16x1xi32>
      %gather3A_123 = vector.shape_cast %broadcast_in_dim3A_122 : vector<16x1xi32> to vector<16xi32>
      %gather3A_124 = tpu.dynamic_gather %add3A_118[%gather3A_123] in [0] : vector<16xf32>, vector<16xi32> -> vector<16xf32>
      %add3A_125 = arith.addf %add3A_118, %gather3A_124 : vector<16xf32>
      %xor3A_126 = arith.constant 1 : i32
      %xor3A_127 = vector.broadcast %xor3A_126 : i32 to vector<16xi32>
      %xor3A_128 = arith.xori %iota3A_104, %xor3A_127 : vector<16xi32>
      %broadcast_in_dim3A_129 = vector.shape_cast %xor3A_128 : vector<16xi32> to vector<16x1xi32>
      %gather3A_130 = vector.shape_cast %broadcast_in_dim3A_129 : vector<16x1xi32> to vector<16xi32>
      %gather3A_131 = tpu.dynamic_gather %add3A_125[%gather3A_130] in [0] : vector<16xf32>, vector<16xi32> -> vector<16xf32>
      %add3A_132 = arith.addf %add3A_125, %gather3A_131 : vector<16xf32>
      %slice3A_133 = vector.extract_strided_slice %add3A_132 {offsets = [0], sizes = [1], strides = [1]} : vector<16xf32> to vector<1xf32>
      %squeeze3A_134 = vector.extract %slice3A_133[0] : f32 from vector<1xf32>
      %convert_element_type3A_135 = arith.fptosi %squeeze3A_134 : f32 to i32
      %gt3A = arith.cmpi sgt, %convert_element_type3A_102, %convert_element_type3A_135 : i32
      %convert_element_type3A_136 = arith.extui %gt3A : i1 to i32
      %cond3A_137 = arith.constant 0 : i32
      %cond3A_138 = arith.cmpi ne, %convert_element_type3A_136, %cond3A_137 : i32
      scf.if %cond3A_138 {
        %and3A = arith.constant -8 : i32
        %and3A_148 = arith.andi %convert_element_type3A_135, %and3A : i32
        %multiple_of3A = tpu.assume_multiple %and3A_148, 8 : i32
        %dma_start3A = tpu.memref_slice %arg3[%multiple_of3A] : memref<40960xf32, #tpu.memory_space<hbm>> -> memref<4160xf32, #tpu.memory_space<hbm>>
        %dma_start3A_149 = tpu.memref_slice %arg3[%multiple_of3A] : memref<40960xf32, #tpu.memory_space<hbm>> -> memref<4160xf32, #tpu.memory_space<hbm>>
        tpu.enqueue_dma source(%dma_start3A_149 : memref<4160xf32, #tpu.memory_space<hbm>>) target(%arg8 : memref<4160xf32, #tpu.memory_space<vmem>>) target_semaphore(%arg13 : memref<!tpu.dma_semaphore, #tpu.memory_space<semaphore_mem>>)
        %dma_start3A_150 = tpu.memref_slice %arg2[%multiple_of3A] : memref<40960xf32, #tpu.memory_space<hbm>> -> memref<4160xf32, #tpu.memory_space<hbm>>
        %dma_start3A_151 = tpu.memref_slice %arg2[%multiple_of3A] : memref<40960xf32, #tpu.memory_space<hbm>> -> memref<4160xf32, #tpu.memory_space<hbm>>
        tpu.enqueue_dma source(%dma_start3A_151 : memref<4160xf32, #tpu.memory_space<hbm>>) target(%arg7 : memref<4160xf32, #tpu.memory_space<vmem>>) target_semaphore(%arg12 : memref<!tpu.dma_semaphore, #tpu.memory_space<semaphore_mem>>)
        %iota3A_152 = tpu.iota {dimensions = array<i32: 0>} : vector<16xi32>
        %broadcast_in_dim3A_153 = arith.constant 0xFF800000 : f32
        %broadcast_in_dim3A_154 = vector.broadcast %broadcast_in_dim3A_153 : f32 to vector<16xf32>
        %sub3A_155 = arith.subi %convert_element_type3A_135, %multiple_of3A : i32
        %sub3A_156 = arith.subi %convert_element_type3A_102, %multiple_of3A : i32
        %add3A_157 = arith.constant 63 : i32
        %add3A_158 = arith.addi %sub3A_156, %add3A_157 : i32
        %jit3A = arith.constant 64 : i32
        %div3A = arith.divsi %add3A_158, %jit3A : i32
        %sign3A = arith.constant 0 : i32
        %sign3A_159 = arith.cmpi sgt, %add3A_158, %sign3A : i32
        %sign3A_160 = arith.extui %sign3A_159 : i1 to i32
        %sign3A_161 = arith.constant 0 : i32
        %sign3A_162 = arith.cmpi slt, %add3A_158, %sign3A_161 : i32
        %sign3A_163 = arith.extui %sign3A_162 : i1 to i32
        %sign3A_164 = arith.subi %sign3A_160, %sign3A_163 : i32
        %sign3A_165 = arith.constant 0 : i32
        %sign3A_166 = arith.cmpi sgt, %jit3A, %sign3A_165 : i32
        %sign3A_167 = arith.extui %sign3A_166 : i1 to i32
        %sign3A_168 = arith.constant 0 : i32
        %sign3A_169 = arith.cmpi slt, %jit3A, %sign3A_168 : i32
        %sign3A_170 = arith.extui %sign3A_169 : i1 to i32
        %sign3A_171 = arith.subi %sign3A_167, %sign3A_170 : i32
        %ne3A = arith.cmpi ne, %sign3A_164, %sign3A_171 : i32
        %rem3A = arith.remsi %add3A_158, %jit3A : i32
        %ne3A_172 = arith.constant 0 : i32
        %ne3A_173 = arith.cmpi ne, %rem3A, %ne3A_172 : i32
        %and3A_174 = arith.andi %ne3A, %ne3A_173 : i1
        %sub3A_175 = arith.constant 1 : i32
        %sub3A_176 = arith.subi %div3A, %sub3A_175 : i32
        %select_n3A_177 = arith.select %and3A_174, %sub3A_176, %div3A : i32
        %add3A_178 = arith.constant 63 : i32
        %add3A_179 = arith.addi %sub3A_155, %add3A_178 : i32
        %jit3A_180 = arith.constant 64 : i32
        %div3A_181 = arith.divsi %add3A_179, %jit3A_180 : i32
        %sign3A_182 = arith.constant 0 : i32
        %sign3A_183 = arith.cmpi sgt, %add3A_179, %sign3A_182 : i32
        %sign3A_184 = arith.extui %sign3A_183 : i1 to i32
        %sign3A_185 = arith.constant 0 : i32
        %sign3A_186 = arith.cmpi slt, %add3A_179, %sign3A_185 : i32
        %sign3A_187 = arith.extui %sign3A_186 : i1 to i32
        %sign3A_188 = arith.subi %sign3A_184, %sign3A_187 : i32
        %sign3A_189 = arith.constant 0 : i32
        %sign3A_190 = arith.cmpi sgt, %jit3A_180, %sign3A_189 : i32
        %sign3A_191 = arith.extui %sign3A_190 : i1 to i32
        %sign3A_192 = arith.constant 0 : i32
        %sign3A_193 = arith.cmpi slt, %jit3A_180, %sign3A_192 : i32
        %sign3A_194 = arith.extui %sign3A_193 : i1 to i32
        %sign3A_195 = arith.subi %sign3A_191, %sign3A_194 : i32
        %ne3A_196 = arith.cmpi ne, %sign3A_188, %sign3A_195 : i32
        %rem3A_197 = arith.remsi %add3A_179, %jit3A_180 : i32
        %ne3A_198 = arith.constant 0 : i32
        %ne3A_199 = arith.cmpi ne, %rem3A_197, %ne3A_198 : i32
        %and3A_200 = arith.andi %ne3A_196, %ne3A_199 : i1
        %sub3A_201 = arith.constant 1 : i32
        %sub3A_202 = arith.subi %div3A_181, %sub3A_201 : i32
        %select_n3A_203 = arith.select %and3A_200, %sub3A_202, %div3A_181 : i32
        %min3A_204 = arith.minsi %select_n3A_203, %select_n3A_177 : i32
        %jit3A_205 = arith.constant 64 : i32
        %div3A_206 = arith.divsi %sub3A_156, %jit3A_205 : i32
        %sign3A_207 = arith.constant 0 : i32
        %sign3A_208 = arith.cmpi sgt, %sub3A_156, %sign3A_207 : i32
        %sign3A_209 = arith.extui %sign3A_208 : i1 to i32
        %sign3A_210 = arith.constant 0 : i32
        %sign3A_211 = arith.cmpi slt, %sub3A_156, %sign3A_210 : i32
        %sign3A_212 = arith.extui %sign3A_211 : i1 to i32
        %sign3A_213 = arith.subi %sign3A_209, %sign3A_212 : i32
        %sign3A_214 = arith.constant 0 : i32
        %sign3A_215 = arith.cmpi sgt, %jit3A_205, %sign3A_214 : i32
        %sign3A_216 = arith.extui %sign3A_215 : i1 to i32
        %sign3A_217 = arith.constant 0 : i32
        %sign3A_218 = arith.cmpi slt, %jit3A_205, %sign3A_217 : i32
        %sign3A_219 = arith.extui %sign3A_218 : i1 to i32
        %sign3A_220 = arith.subi %sign3A_216, %sign3A_219 : i32
        %ne3A_221 = arith.cmpi ne, %sign3A_213, %sign3A_220 : i32
        %rem3A_222 = arith.remsi %sub3A_156, %jit3A_205 : i32
        %ne3A_223 = arith.constant 0 : i32
        %ne3A_224 = arith.cmpi ne, %rem3A_222, %ne3A_223 : i32
        %and3A_225 = arith.andi %ne3A_221, %ne3A_224 : i1
        %sub3A_226 = arith.constant 1 : i32
        %sub3A_227 = arith.subi %div3A_206, %sub3A_226 : i32
        %select_n3A_228 = arith.select %and3A_225, %sub3A_227, %div3A_206 : i32
        %max3A_229 = arith.maxsi %select_n3A_228, %min3A_204 : i32
        %dma_wait3A = tpu.memref_slice %arg3[%multiple_of3A] : memref<40960xf32, #tpu.memory_space<hbm>> -> memref<4160xf32, #tpu.memory_space<hbm>>
        %dma_wait3A_230 = tpu.memref_slice %arg3[%multiple_of3A] : memref<40960xf32, #tpu.memory_space<hbm>> -> memref<4160xf32, #tpu.memory_space<hbm>>
        tpu.wait_dma2 semaphore(%arg13 : memref<!tpu.dma_semaphore, #tpu.memory_space<semaphore_mem>>) src(%dma_wait3A_230 : memref<4160xf32, #tpu.memory_space<hbm>>) dst(%arg8 : memref<4160xf32, #tpu.memory_space<vmem>>)
        %while3A = arith.constant 0 : i32
        %while3A_231 = arith.subi %min3A_204, %while3A : i32
        %while3A_232 = arith.addi %while3A, %while3A_231 : i32
        %while3A_233 = arith.constant 1 : i32
        %while3A_234 = arith.divsi %while3A_231, %while3A_233 : i32
        %while3A_235 = arith.muli %while3A_234, %while3A_233 : i32
        %while3A_236 = arith.addi %while3A, %while3A_235 : i32
        %while3A_237 = arith.constant 1 : i32
        %while3A_238 = scf.for %while3A_393 = %while3A to %while3A_236 step %while3A_237 iter_args(%while3A_394 = %broadcast_in_dim3A_154) -> (vector<16xf32>)  : i32 {
          %mul3A_395 = arith.constant 64 : i32
          %mul3A_396 = arith.muli %while3A_393, %mul3A_395 : i32
          %add3A_397 = arith.constant 0 : i32
          %add3A_398 = arith.addi %mul3A_396, %add3A_397 : i32
          %add3A_399 = arith.addi %multiple_of3A, %add3A_398 : i32
          %add3A_400 = vector.broadcast %add3A_399 : i32 to vector<16xi32>
          %add3A_401 = arith.addi %add3A_400, %iota3A_152 : vector<16xi32>
          %get3A_402 = arith.index_cast %add3A_398 : i32 to index
          %get3A_403 = tpu.vector_load %arg8[%get3A_402] {strides = array<i32>} : memref<4160xf32, #tpu.memory_space<vmem>>, vector<16xf32>,
          %get3A_404 = vector.shape_cast %get3A_403 : vector<16xf32> to vector<16xf32>
          %ge3A_405 = vector.broadcast %convert_element_type3A_135 : i32 to vector<16xi32>
          %ge3A_406 = arith.cmpi sge, %add3A_401, %ge3A_405 : vector<16xi32>
          %lt3A = vector.broadcast %convert_element_type3A_102 : i32 to vector<16xi32>
          %lt3A_407 = arith.cmpi slt, %add3A_401, %lt3A : vector<16xi32>
          %and3A_408 = arith.andi %ge3A_406, %lt3A_407 : vector<16xi1>
          %select_n3A_409 = arith.select %and3A_408, %get3A_404, %broadcast_in_dim3A_154 : vector<16xi1>, vector<16xf32>
          %max3A_410 = arith.maximumf %while3A_394, %select_n3A_409 : vector<16xf32>
          %add3A_411 = arith.constant 16 : i32
          %add3A_412 = arith.addi %mul3A_396, %add3A_411 : i32
          %add3A_413 = arith.addi %multiple_of3A, %add3A_412 : i32
          %add3A_414 = vector.broadcast %add3A_413 : i32 to vector<16xi32>
          %add3A_415 = arith.addi %add3A_414, %iota3A_152 : vector<16xi32>
          %get3A_416 = arith.index_cast %add3A_412 : i32 to index
          %get3A_417 = tpu.vector_load %arg8[%get3A_416] {strides = array<i32>} : memref<4160xf32, #tpu.memory_space<vmem>>, vector<16xf32>,
          %get3A_418 = vector.shape_cast %get3A_417 : vector<16xf32> to vector<16xf32>
          %ge3A_419 = vector.broadcast %convert_element_type3A_135 : i32 to vector<16xi32>
          %ge3A_420 = arith.cmpi sge, %add3A_415, %ge3A_419 : vector<16xi32>
          %lt3A_421 = vector.broadcast %convert_element_type3A_102 : i32 to vector<16xi32>
          %lt3A_422 = arith.cmpi slt, %add3A_415, %lt3A_421 : vector<16xi32>
          %and3A_423 = arith.andi %ge3A_420, %lt3A_422 : vector<16xi1>
          %select_n3A_424 = arith.select %and3A_423, %get3A_418, %broadcast_in_dim3A_154 : vector<16xi1>, vector<16xf32>
          %max3A_425 = arith.maximumf %max3A_410, %select_n3A_424 : vector<16xf32>
          %add3A_426 = arith.constant 32 : i32
          %add3A_427 = arith.addi %mul3A_396, %add3A_426 : i32
          %add3A_428 = arith.addi %multiple_of3A, %add3A_427 : i32
          %add3A_429 = vector.broadcast %add3A_428 : i32 to vector<16xi32>
          %add3A_430 = arith.addi %add3A_429, %iota3A_152 : vector<16xi32>
          %get3A_431 = arith.index_cast %add3A_427 : i32 to index
          %get3A_432 = tpu.vector_load %arg8[%get3A_431] {strides = array<i32>} : memref<4160xf32, #tpu.memory_space<vmem>>, vector<16xf32>,
          %get3A_433 = vector.shape_cast %get3A_432 : vector<16xf32> to vector<16xf32>
          %ge3A_434 = vector.broadcast %convert_element_type3A_135 : i32 to vector<16xi32>
          %ge3A_435 = arith.cmpi sge, %add3A_430, %ge3A_434 : vector<16xi32>
          %lt3A_436 = vector.broadcast %convert_element_type3A_102 : i32 to vector<16xi32>
          %lt3A_437 = arith.cmpi slt, %add3A_430, %lt3A_436 : vector<16xi32>
          %and3A_438 = arith.andi %ge3A_435, %lt3A_437 : vector<16xi1>
          %select_n3A_439 = arith.select %and3A_438, %get3A_433, %broadcast_in_dim3A_154 : vector<16xi1>, vector<16xf32>
          %max3A_440 = arith.maximumf %max3A_425, %select_n3A_439 : vector<16xf32>
          %add3A_441 = arith.constant 48 : i32
          %add3A_442 = arith.addi %mul3A_396, %add3A_441 : i32
          %add3A_443 = arith.addi %multiple_of3A, %add3A_442 : i32
          %add3A_444 = vector.broadcast %add3A_443 : i32 to vector<16xi32>
          %add3A_445 = arith.addi %add3A_444, %iota3A_152 : vector<16xi32>
          %get3A_446 = arith.index_cast %add3A_442 : i32 to index
          %get3A_447 = tpu.vector_load %arg8[%get3A_446] {strides = array<i32>} : memref<4160xf32, #tpu.memory_space<vmem>>, vector<16xf32>,
          %get3A_448 = vector.shape_cast %get3A_447 : vector<16xf32> to vector<16xf32>
          %ge3A_449 = vector.broadcast %convert_element_type3A_135 : i32 to vector<16xi32>
          %ge3A_450 = arith.cmpi sge, %add3A_445, %ge3A_449 : vector<16xi32>
          %lt3A_451 = vector.broadcast %convert_element_type3A_102 : i32 to vector<16xi32>
          %lt3A_452 = arith.cmpi slt, %add3A_445, %lt3A_451 : vector<16xi32>
          %and3A_453 = arith.andi %ge3A_450, %lt3A_452 : vector<16xi1>
          %select_n3A_454 = arith.select %and3A_453, %get3A_448, %broadcast_in_dim3A_154 : vector<16xi1>, vector<16xf32>
          %max3A_455 = arith.maximumf %max3A_440, %select_n3A_454 : vector<16xf32>
          scf.yield %max3A_455 : vector<16xf32>
        }
        %while3A_239 = arith.constant 1 : i32
        %while3A_240 = scf.for %while3A_393 = %while3A_236 to %while3A_232 step %while3A_239 iter_args(%while3A_394 = %while3A_238) -> (vector<16xf32>)  : i32 {
          %mul3A_395 = arith.constant 64 : i32
          %mul3A_396 = arith.muli %while3A_393, %mul3A_395 : i32
          %add3A_397 = arith.constant 0 : i32
          %add3A_398 = arith.addi %mul3A_396, %add3A_397 : i32
          %add3A_399 = arith.addi %multiple_of3A, %add3A_398 : i32
          %add3A_400 = vector.broadcast %add3A_399 : i32 to vector<16xi32>
          %add3A_401 = arith.addi %add3A_400, %iota3A_152 : vector<16xi32>
          %get3A_402 = arith.index_cast %add3A_398 : i32 to index
          %get3A_403 = tpu.vector_load %arg8[%get3A_402] {strides = array<i32>} : memref<4160xf32, #tpu.memory_space<vmem>>, vector<16xf32>,
          %get3A_404 = vector.shape_cast %get3A_403 : vector<16xf32> to vector<16xf32>
          %ge3A_405 = vector.broadcast %convert_element_type3A_135 : i32 to vector<16xi32>
          %ge3A_406 = arith.cmpi sge, %add3A_401, %ge3A_405 : vector<16xi32>
          %lt3A = vector.broadcast %convert_element_type3A_102 : i32 to vector<16xi32>
          %lt3A_407 = arith.cmpi slt, %add3A_401, %lt3A : vector<16xi32>
          %and3A_408 = arith.andi %ge3A_406, %lt3A_407 : vector<16xi1>
          %select_n3A_409 = arith.select %and3A_408, %get3A_404, %broadcast_in_dim3A_154 : vector<16xi1>, vector<16xf32>
          %max3A_410 = arith.maximumf %while3A_394, %select_n3A_409 : vector<16xf32>
          %add3A_411 = arith.constant 16 : i32
          %add3A_412 = arith.addi %mul3A_396, %add3A_411 : i32
          %add3A_413 = arith.addi %multiple_of3A, %add3A_412 : i32
          %add3A_414 = vector.broadcast %add3A_413 : i32 to vector<16xi32>
          %add3A_415 = arith.addi %add3A_414, %iota3A_152 : vector<16xi32>
          %get3A_416 = arith.index_cast %add3A_412 : i32 to index
          %get3A_417 = tpu.vector_load %arg8[%get3A_416] {strides = array<i32>} : memref<4160xf32, #tpu.memory_space<vmem>>, vector<16xf32>,
          %get3A_418 = vector.shape_cast %get3A_417 : vector<16xf32> to vector<16xf32>
          %ge3A_419 = vector.broadcast %convert_element_type3A_135 : i32 to vector<16xi32>
          %ge3A_420 = arith.cmpi sge, %add3A_415, %ge3A_419 : vector<16xi32>
          %lt3A_421 = vector.broadcast %convert_element_type3A_102 : i32 to vector<16xi32>
          %lt3A_422 = arith.cmpi slt, %add3A_415, %lt3A_421 : vector<16xi32>
          %and3A_423 = arith.andi %ge3A_420, %lt3A_422 : vector<16xi1>
          %select_n3A_424 = arith.select %and3A_423, %get3A_418, %broadcast_in_dim3A_154 : vector<16xi1>, vector<16xf32>
          %max3A_425 = arith.maximumf %max3A_410, %select_n3A_424 : vector<16xf32>
          %add3A_426 = arith.constant 32 : i32
          %add3A_427 = arith.addi %mul3A_396, %add3A_426 : i32
          %add3A_428 = arith.addi %multiple_of3A, %add3A_427 : i32
          %add3A_429 = vector.broadcast %add3A_428 : i32 to vector<16xi32>
          %add3A_430 = arith.addi %add3A_429, %iota3A_152 : vector<16xi32>
          %get3A_431 = arith.index_cast %add3A_427 : i32 to index
          %get3A_432 = tpu.vector_load %arg8[%get3A_431] {strides = array<i32>} : memref<4160xf32, #tpu.memory_space<vmem>>, vector<16xf32>,
          %get3A_433 = vector.shape_cast %get3A_432 : vector<16xf32> to vector<16xf32>
          %ge3A_434 = vector.broadcast %convert_element_type3A_135 : i32 to vector<16xi32>
          %ge3A_435 = arith.cmpi sge, %add3A_430, %ge3A_434 : vector<16xi32>
          %lt3A_436 = vector.broadcast %convert_element_type3A_102 : i32 to vector<16xi32>
          %lt3A_437 = arith.cmpi slt, %add3A_430, %lt3A_436 : vector<16xi32>
          %and3A_438 = arith.andi %ge3A_435, %lt3A_437 : vector<16xi1>
          %select_n3A_439 = arith.select %and3A_438, %get3A_433, %broadcast_in_dim3A_154 : vector<16xi1>, vector<16xf32>
          %max3A_440 = arith.maximumf %max3A_425, %select_n3A_439 : vector<16xf32>
          %add3A_441 = arith.constant 48 : i32
          %add3A_442 = arith.addi %mul3A_396, %add3A_441 : i32
          %add3A_443 = arith.addi %multiple_of3A, %add3A_442 : i32
          %add3A_444 = vector.broadcast %add3A_443 : i32 to vector<16xi32>
          %add3A_445 = arith.addi %add3A_444, %iota3A_152 : vector<16xi32>
          %get3A_446 = arith.index_cast %add3A_442 : i32 to index
          %get3A_447 = tpu.vector_load %arg8[%get3A_446] {strides = array<i32>} : memref<4160xf32, #tpu.memory_space<vmem>>, vector<16xf32>,
          %get3A_448 = vector.shape_cast %get3A_447 : vector<16xf32> to vector<16xf32>
          %ge3A_449 = vector.broadcast %convert_element_type3A_135 : i32 to vector<16xi32>
          %ge3A_450 = arith.cmpi sge, %add3A_445, %ge3A_449 : vector<16xi32>
          %lt3A_451 = vector.broadcast %convert_element_type3A_102 : i32 to vector<16xi32>
          %lt3A_452 = arith.cmpi slt, %add3A_445, %lt3A_451 : vector<16xi32>
          %and3A_453 = arith.andi %ge3A_450, %lt3A_452 : vector<16xi1>
          %select_n3A_454 = arith.select %and3A_453, %get3A_448, %broadcast_in_dim3A_154 : vector<16xi1>, vector<16xf32>
          %max3A_455 = arith.maximumf %max3A_440, %select_n3A_454 : vector<16xf32>
          scf.yield %max3A_455 : vector<16xf32>
        }
        %while3A_241 = arith.subi %max3A_229, %min3A_204 : i32
        %while3A_242 = arith.addi %min3A_204, %while3A_241 : i32
        %while3A_243 = arith.constant 1 : i32
        %while3A_244 = arith.divsi %while3A_241, %while3A_243 : i32
        %while3A_245 = arith.muli %while3A_244, %while3A_243 : i32
        %while3A_246 = arith.addi %min3A_204, %while3A_245 : i32
        %while3A_247 = arith.constant 1 : i32
        %while3A_248 = scf.for %while3A_393 = %min3A_204 to %while3A_246 step %while3A_247 iter_args(%while3A_394 = %while3A_240) -> (vector<16xf32>)  : i32 {
          %mul3A_395 = arith.constant 64 : i32
          %mul3A_396 = arith.muli %while3A_393, %mul3A_395 : i32
          %add3A_397 = arith.constant 0 : i32
          %add3A_398 = arith.addi %mul3A_396, %add3A_397 : i32
          %get3A_399 = arith.index_cast %add3A_398 : i32 to index
          %get3A_400 = tpu.vector_load %arg8[%get3A_399] {strides = array<i32>} : memref<4160xf32, #tpu.memory_space<vmem>>, vector<16xf32>,
          %get3A_401 = vector.shape_cast %get3A_400 : vector<16xf32> to vector<16xf32>
          %max3A_402 = arith.maximumf %while3A_394, %get3A_401 : vector<16xf32>
          %add3A_403 = arith.constant 16 : i32
          %add3A_404 = arith.addi %mul3A_396, %add3A_403 : i32
          %get3A_405 = arith.index_cast %add3A_404 : i32 to index
          %get3A_406 = tpu.vector_load %arg8[%get3A_405] {strides = array<i32>} : memref<4160xf32, #tpu.memory_space<vmem>>, vector<16xf32>,
          %get3A_407 = vector.shape_cast %get3A_406 : vector<16xf32> to vector<16xf32>
          %max3A_408 = arith.maximumf %max3A_402, %get3A_407 : vector<16xf32>
          %add3A_409 = arith.constant 32 : i32
          %add3A_410 = arith.addi %mul3A_396, %add3A_409 : i32
          %get3A_411 = arith.index_cast %add3A_410 : i32 to index
          %get3A_412 = tpu.vector_load %arg8[%get3A_411] {strides = array<i32>} : memref<4160xf32, #tpu.memory_space<vmem>>, vector<16xf32>,
          %get3A_413 = vector.shape_cast %get3A_412 : vector<16xf32> to vector<16xf32>
          %max3A_414 = arith.maximumf %max3A_408, %get3A_413 : vector<16xf32>
          %add3A_415 = arith.constant 48 : i32
          %add3A_416 = arith.addi %mul3A_396, %add3A_415 : i32
          %get3A_417 = arith.index_cast %add3A_416 : i32 to index
          %get3A_418 = tpu.vector_load %arg8[%get3A_417] {strides = array<i32>} : memref<4160xf32, #tpu.memory_space<vmem>>, vector<16xf32>,
          %get3A_419 = vector.shape_cast %get3A_418 : vector<16xf32> to vector<16xf32>
          %max3A_420 = arith.maximumf %max3A_414, %get3A_419 : vector<16xf32>
          scf.yield %max3A_420 : vector<16xf32>
        }
        %while3A_249 = arith.constant 1 : i32
        %while3A_250 = scf.for %while3A_393 = %while3A_246 to %while3A_242 step %while3A_249 iter_args(%while3A_394 = %while3A_248) -> (vector<16xf32>)  : i32 {
          %mul3A_395 = arith.constant 64 : i32
          %mul3A_396 = arith.muli %while3A_393, %mul3A_395 : i32
          %add3A_397 = arith.constant 0 : i32
          %add3A_398 = arith.addi %mul3A_396, %add3A_397 : i32
          %get3A_399 = arith.index_cast %add3A_398 : i32 to index
          %get3A_400 = tpu.vector_load %arg8[%get3A_399] {strides = array<i32>} : memref<4160xf32, #tpu.memory_space<vmem>>, vector<16xf32>,
          %get3A_401 = vector.shape_cast %get3A_400 : vector<16xf32> to vector<16xf32>
          %max3A_402 = arith.maximumf %while3A_394, %get3A_401 : vector<16xf32>
          %add3A_403 = arith.constant 16 : i32
          %add3A_404 = arith.addi %mul3A_396, %add3A_403 : i32
          %get3A_405 = arith.index_cast %add3A_404 : i32 to index
          %get3A_406 = tpu.vector_load %arg8[%get3A_405] {strides = array<i32>} : memref<4160xf32, #tpu.memory_space<vmem>>, vector<16xf32>,
          %get3A_407 = vector.shape_cast %get3A_406 : vector<16xf32> to vector<16xf32>
          %max3A_408 = arith.maximumf %max3A_402, %get3A_407 : vector<16xf32>
          %add3A_409 = arith.constant 32 : i32
          %add3A_410 = arith.addi %mul3A_396, %add3A_409 : i32
          %get3A_411 = arith.index_cast %add3A_410 : i32 to index
          %get3A_412 = tpu.vector_load %arg8[%get3A_411] {strides = array<i32>} : memref<4160xf32, #tpu.memory_space<vmem>>, vector<16xf32>,
          %get3A_413 = vector.shape_cast %get3A_412 : vector<16xf32> to vector<16xf32>
          %max3A_414 = arith.maximumf %max3A_408, %get3A_413 : vector<16xf32>
          %add3A_415 = arith.constant 48 : i32
          %add3A_416 = arith.addi %mul3A_396, %add3A_415 : i32
          %get3A_417 = arith.index_cast %add3A_416 : i32 to index
          %get3A_418 = tpu.vector_load %arg8[%get3A_417] {strides = array<i32>} : memref<4160xf32, #tpu.memory_space<vmem>>, vector<16xf32>,
          %get3A_419 = vector.shape_cast %get3A_418 : vector<16xf32> to vector<16xf32>
          %max3A_420 = arith.maximumf %max3A_414, %get3A_419 : vector<16xf32>
          scf.yield %max3A_420 : vector<16xf32>
        }
        %while3A_251 = arith.subi %select_n3A_177, %max3A_229 : i32
        %while3A_252 = arith.addi %max3A_229, %while3A_251 : i32
        %while3A_253 = arith.constant 1 : i32
        %while3A_254 = arith.divsi %while3A_251, %while3A_253 : i32
        %while3A_255 = arith.muli %while3A_254, %while3A_253 : i32
        %while3A_256 = arith.addi %max3A_229, %while3A_255 : i32
        %while3A_257 = arith.constant 1 : i32
        %while3A_258 = scf.for %while3A_393 = %max3A_229 to %while3A_256 step %while3A_257 iter_args(%while3A_394 = %while3A_250) -> (vector<16xf32>)  : i32 {
          %mul3A_395 = arith.constant 64 : i32
          %mul3A_396 = arith.muli %while3A_393, %mul3A_395 : i32
          %add3A_397 = arith.constant 0 : i32
          %add3A_398 = arith.addi %mul3A_396, %add3A_397 : i32
          %add3A_399 = arith.addi %multiple_of3A, %add3A_398 : i32
          %add3A_400 = vector.broadcast %add3A_399 : i32 to vector<16xi32>
          %add3A_401 = arith.addi %add3A_400, %iota3A_152 : vector<16xi32>
          %get3A_402 = arith.index_cast %add3A_398 : i32 to index
          %get3A_403 = tpu.vector_load %arg8[%get3A_402] {strides = array<i32>} : memref<4160xf32, #tpu.memory_space<vmem>>, vector<16xf32>,
          %get3A_404 = vector.shape_cast %get3A_403 : vector<16xf32> to vector<16xf32>
          %ge3A_405 = vector.broadcast %convert_element_type3A_135 : i32 to vector<16xi32>
          %ge3A_406 = arith.cmpi sge, %add3A_401, %ge3A_405 : vector<16xi32>
          %lt3A = vector.broadcast %convert_element_type3A_102 : i32 to vector<16xi32>
          %lt3A_407 = arith.cmpi slt, %add3A_401, %lt3A : vector<16xi32>
          %and3A_408 = arith.andi %ge3A_406, %lt3A_407 : vector<16xi1>
          %select_n3A_409 = arith.select %and3A_408, %get3A_404, %broadcast_in_dim3A_154 : vector<16xi1>, vector<16xf32>
          %max3A_410 = arith.maximumf %while3A_394, %select_n3A_409 : vector<16xf32>
          %add3A_411 = arith.constant 16 : i32
          %add3A_412 = arith.addi %mul3A_396, %add3A_411 : i32
          %add3A_413 = arith.addi %multiple_of3A, %add3A_412 : i32
          %add3A_414 = vector.broadcast %add3A_413 : i32 to vector<16xi32>
          %add3A_415 = arith.addi %add3A_414, %iota3A_152 : vector<16xi32>
          %get3A_416 = arith.index_cast %add3A_412 : i32 to index
          %get3A_417 = tpu.vector_load %arg8[%get3A_416] {strides = array<i32>} : memref<4160xf32, #tpu.memory_space<vmem>>, vector<16xf32>,
          %get3A_418 = vector.shape_cast %get3A_417 : vector<16xf32> to vector<16xf32>
          %ge3A_419 = vector.broadcast %convert_element_type3A_135 : i32 to vector<16xi32>
          %ge3A_420 = arith.cmpi sge, %add3A_415, %ge3A_419 : vector<16xi32>
          %lt3A_421 = vector.broadcast %convert_element_type3A_102 : i32 to vector<16xi32>
          %lt3A_422 = arith.cmpi slt, %add3A_415, %lt3A_421 : vector<16xi32>
          %and3A_423 = arith.andi %ge3A_420, %lt3A_422 : vector<16xi1>
          %select_n3A_424 = arith.select %and3A_423, %get3A_418, %broadcast_in_dim3A_154 : vector<16xi1>, vector<16xf32>
          %max3A_425 = arith.maximumf %max3A_410, %select_n3A_424 : vector<16xf32>
          %add3A_426 = arith.constant 32 : i32
          %add3A_427 = arith.addi %mul3A_396, %add3A_426 : i32
          %add3A_428 = arith.addi %multiple_of3A, %add3A_427 : i32
          %add3A_429 = vector.broadcast %add3A_428 : i32 to vector<16xi32>
          %add3A_430 = arith.addi %add3A_429, %iota3A_152 : vector<16xi32>
          %get3A_431 = arith.index_cast %add3A_427 : i32 to index
          %get3A_432 = tpu.vector_load %arg8[%get3A_431] {strides = array<i32>} : memref<4160xf32, #tpu.memory_space<vmem>>, vector<16xf32>,
          %get3A_433 = vector.shape_cast %get3A_432 : vector<16xf32> to vector<16xf32>
          %ge3A_434 = vector.broadcast %convert_element_type3A_135 : i32 to vector<16xi32>
          %ge3A_435 = arith.cmpi sge, %add3A_430, %ge3A_434 : vector<16xi32>
          %lt3A_436 = vector.broadcast %convert_element_type3A_102 : i32 to vector<16xi32>
          %lt3A_437 = arith.cmpi slt, %add3A_430, %lt3A_436 : vector<16xi32>
          %and3A_438 = arith.andi %ge3A_435, %lt3A_437 : vector<16xi1>
          %select_n3A_439 = arith.select %and3A_438, %get3A_433, %broadcast_in_dim3A_154 : vector<16xi1>, vector<16xf32>
          %max3A_440 = arith.maximumf %max3A_425, %select_n3A_439 : vector<16xf32>
          %add3A_441 = arith.constant 48 : i32
          %add3A_442 = arith.addi %mul3A_396, %add3A_441 : i32
          %add3A_443 = arith.addi %multiple_of3A, %add3A_442 : i32
          %add3A_444 = vector.broadcast %add3A_443 : i32 to vector<16xi32>
          %add3A_445 = arith.addi %add3A_444, %iota3A_152 : vector<16xi32>
          %get3A_446 = arith.index_cast %add3A_442 : i32 to index
          %get3A_447 = tpu.vector_load %arg8[%get3A_446] {strides = array<i32>} : memref<4160xf32, #tpu.memory_space<vmem>>, vector<16xf32>,
          %get3A_448 = vector.shape_cast %get3A_447 : vector<16xf32> to vector<16xf32>
          %ge3A_449 = vector.broadcast %convert_element_type3A_135 : i32 to vector<16xi32>
          %ge3A_450 = arith.cmpi sge, %add3A_445, %ge3A_449 : vector<16xi32>
          %lt3A_451 = vector.broadcast %convert_element_type3A_102 : i32 to vector<16xi32>
          %lt3A_452 = arith.cmpi slt, %add3A_445, %lt3A_451 : vector<16xi32>
          %and3A_453 = arith.andi %ge3A_450, %lt3A_452 : vector<16xi1>
          %select_n3A_454 = arith.select %and3A_453, %get3A_448, %broadcast_in_dim3A_154 : vector<16xi1>, vector<16xf32>
          %max3A_455 = arith.maximumf %max3A_440, %select_n3A_454 : vector<16xf32>
          scf.yield %max3A_455 : vector<16xf32>
        }
        %while3A_259 = arith.constant 1 : i32
        %while3A_260 = scf.for %while3A_393 = %while3A_256 to %while3A_252 step %while3A_259 iter_args(%while3A_394 = %while3A_258) -> (vector<16xf32>)  : i32 {
          %mul3A_395 = arith.constant 64 : i32
          %mul3A_396 = arith.muli %while3A_393, %mul3A_395 : i32
          %add3A_397 = arith.constant 0 : i32
          %add3A_398 = arith.addi %mul3A_396, %add3A_397 : i32
          %add3A_399 = arith.addi %multiple_of3A, %add3A_398 : i32
          %add3A_400 = vector.broadcast %add3A_399 : i32 to vector<16xi32>
          %add3A_401 = arith.addi %add3A_400, %iota3A_152 : vector<16xi32>
          %get3A_402 = arith.index_cast %add3A_398 : i32 to index
          %get3A_403 = tpu.vector_load %arg8[%get3A_402] {strides = array<i32>} : memref<4160xf32, #tpu.memory_space<vmem>>, vector<16xf32>,
          %get3A_404 = vector.shape_cast %get3A_403 : vector<16xf32> to vector<16xf32>
          %ge3A_405 = vector.broadcast %convert_element_type3A_135 : i32 to vector<16xi32>
          %ge3A_406 = arith.cmpi sge, %add3A_401, %ge3A_405 : vector<16xi32>
          %lt3A = vector.broadcast %convert_element_type3A_102 : i32 to vector<16xi32>
          %lt3A_407 = arith.cmpi slt, %add3A_401, %lt3A : vector<16xi32>
          %and3A_408 = arith.andi %ge3A_406, %lt3A_407 : vector<16xi1>
          %select_n3A_409 = arith.select %and3A_408, %get3A_404, %broadcast_in_dim3A_154 : vector<16xi1>, vector<16xf32>
          %max3A_410 = arith.maximumf %while3A_394, %select_n3A_409 : vector<16xf32>
          %add3A_411 = arith.constant 16 : i32
          %add3A_412 = arith.addi %mul3A_396, %add3A_411 : i32
          %add3A_413 = arith.addi %multiple_of3A, %add3A_412 : i32
          %add3A_414 = vector.broadcast %add3A_413 : i32 to vector<16xi32>
          %add3A_415 = arith.addi %add3A_414, %iota3A_152 : vector<16xi32>
          %get3A_416 = arith.index_cast %add3A_412 : i32 to index
          %get3A_417 = tpu.vector_load %arg8[%get3A_416] {strides = array<i32>} : memref<4160xf32, #tpu.memory_space<vmem>>, vector<16xf32>,
          %get3A_418 = vector.shape_cast %get3A_417 : vector<16xf32> to vector<16xf32>
          %ge3A_419 = vector.broadcast %convert_element_type3A_135 : i32 to vector<16xi32>
          %ge3A_420 = arith.cmpi sge, %add3A_415, %ge3A_419 : vector<16xi32>
          %lt3A_421 = vector.broadcast %convert_element_type3A_102 : i32 to vector<16xi32>
          %lt3A_422 = arith.cmpi slt, %add3A_415, %lt3A_421 : vector<16xi32>
          %and3A_423 = arith.andi %ge3A_420, %lt3A_422 : vector<16xi1>
          %select_n3A_424 = arith.select %and3A_423, %get3A_418, %broadcast_in_dim3A_154 : vector<16xi1>, vector<16xf32>
          %max3A_425 = arith.maximumf %max3A_410, %select_n3A_424 : vector<16xf32>
          %add3A_426 = arith.constant 32 : i32
          %add3A_427 = arith.addi %mul3A_396, %add3A_426 : i32
          %add3A_428 = arith.addi %multiple_of3A, %add3A_427 : i32
          %add3A_429 = vector.broadcast %add3A_428 : i32 to vector<16xi32>
          %add3A_430 = arith.addi %add3A_429, %iota3A_152 : vector<16xi32>
          %get3A_431 = arith.index_cast %add3A_427 : i32 to index
          %get3A_432 = tpu.vector_load %arg8[%get3A_431] {strides = array<i32>} : memref<4160xf32, #tpu.memory_space<vmem>>, vector<16xf32>,
          %get3A_433 = vector.shape_cast %get3A_432 : vector<16xf32> to vector<16xf32>
          %ge3A_434 = vector.broadcast %convert_element_type3A_135 : i32 to vector<16xi32>
          %ge3A_435 = arith.cmpi sge, %add3A_430, %ge3A_434 : vector<16xi32>
          %lt3A_436 = vector.broadcast %convert_element_type3A_102 : i32 to vector<16xi32>
          %lt3A_437 = arith.cmpi slt, %add3A_430, %lt3A_436 : vector<16xi32>
          %and3A_438 = arith.andi %ge3A_435, %lt3A_437 : vector<16xi1>
          %select_n3A_439 = arith.select %and3A_438, %get3A_433, %broadcast_in_dim3A_154 : vector<16xi1>, vector<16xf32>
          %max3A_440 = arith.maximumf %max3A_425, %select_n3A_439 : vector<16xf32>
          %add3A_441 = arith.constant 48 : i32
          %add3A_442 = arith.addi %mul3A_396, %add3A_441 : i32
          %add3A_443 = arith.addi %multiple_of3A, %add3A_442 : i32
          %add3A_444 = vector.broadcast %add3A_443 : i32 to vector<16xi32>
          %add3A_445 = arith.addi %add3A_444, %iota3A_152 : vector<16xi32>
          %get3A_446 = arith.index_cast %add3A_442 : i32 to index
          %get3A_447 = tpu.vector_load %arg8[%get3A_446] {strides = array<i32>} : memref<4160xf32, #tpu.memory_space<vmem>>, vector<16xf32>,
          %get3A_448 = vector.shape_cast %get3A_447 : vector<16xf32> to vector<16xf32>
          %ge3A_449 = vector.broadcast %convert_element_type3A_135 : i32 to vector<16xi32>
          %ge3A_450 = arith.cmpi sge, %add3A_445, %ge3A_449 : vector<16xi32>
          %lt3A_451 = vector.broadcast %convert_element_type3A_102 : i32 to vector<16xi32>
          %lt3A_452 = arith.cmpi slt, %add3A_445, %lt3A_451 : vector<16xi32>
          %and3A_453 = arith.andi %ge3A_450, %lt3A_452 : vector<16xi1>
          %select_n3A_454 = arith.select %and3A_453, %get3A_448, %broadcast_in_dim3A_154 : vector<16xi1>, vector<16xf32>
          %max3A_455 = arith.maximumf %max3A_440, %select_n3A_454 : vector<16xf32>
          scf.yield %max3A_455 : vector<16xf32>
        }
        %iota3A_261 = tpu.iota {dimensions = array<i32: 0>} : vector<16xi32>
        %xor3A_262 = arith.constant 8 : i32
        %xor3A_263 = vector.broadcast %xor3A_262 : i32 to vector<16xi32>
        %xor3A_264 = arith.xori %iota3A_261, %xor3A_263 : vector<16xi32>
        %broadcast_in_dim3A_265 = vector.shape_cast %xor3A_264 : vector<16xi32> to vector<16x1xi32>
        %gather3A_266 = vector.shape_cast %broadcast_in_dim3A_265 : vector<16x1xi32> to vector<16xi32>
        %gather3A_267 = tpu.dynamic_gather %while3A_260[%gather3A_266] in [0] : vector<16xf32>, vector<16xi32> -> vector<16xf32>
        %max3A_268 = arith.maximumf %while3A_260, %gather3A_267 : vector<16xf32>
        %xor3A_269 = arith.constant 4 : i32
        %xor3A_270 = vector.broadcast %xor3A_269 : i32 to vector<16xi32>
        %xor3A_271 = arith.xori %iota3A_261, %xor3A_270 : vector<16xi32>
        %broadcast_in_dim3A_272 = vector.shape_cast %xor3A_271 : vector<16xi32> to vector<16x1xi32>
        %gather3A_273 = vector.shape_cast %broadcast_in_dim3A_272 : vector<16x1xi32> to vector<16xi32>
        %gather3A_274 = tpu.dynamic_gather %max3A_268[%gather3A_273] in [0] : vector<16xf32>, vector<16xi32> -> vector<16xf32>
        %max3A_275 = arith.maximumf %max3A_268, %gather3A_274 : vector<16xf32>
        %xor3A_276 = arith.constant 2 : i32
        %xor3A_277 = vector.broadcast %xor3A_276 : i32 to vector<16xi32>
        %xor3A_278 = arith.xori %iota3A_261, %xor3A_277 : vector<16xi32>
        %broadcast_in_dim3A_279 = vector.shape_cast %xor3A_278 : vector<16xi32> to vector<16x1xi32>
        %gather3A_280 = vector.shape_cast %broadcast_in_dim3A_279 : vector<16x1xi32> to vector<16xi32>
        %gather3A_281 = tpu.dynamic_gather %max3A_275[%gather3A_280] in [0] : vector<16xf32>, vector<16xi32> -> vector<16xf32>
        %max3A_282 = arith.maximumf %max3A_275, %gather3A_281 : vector<16xf32>
        %xor3A_283 = arith.constant 1 : i32
        %xor3A_284 = vector.broadcast %xor3A_283 : i32 to vector<16xi32>
        %xor3A_285 = arith.xori %iota3A_261, %xor3A_284 : vector<16xi32>
        %broadcast_in_dim3A_286 = vector.shape_cast %xor3A_285 : vector<16xi32> to vector<16x1xi32>
        %gather3A_287 = vector.shape_cast %broadcast_in_dim3A_286 : vector<16x1xi32> to vector<16xi32>
        %gather3A_288 = tpu.dynamic_gather %max3A_282[%gather3A_287] in [0] : vector<16xf32>, vector<16xi32> -> vector<16xf32>
        %max3A_289 = arith.maximumf %max3A_282, %gather3A_288 : vector<16xf32>
        %dma_wait3A_290 = tpu.memref_slice %arg2[%multiple_of3A] : memref<40960xf32, #tpu.memory_space<hbm>> -> memref<4160xf32, #tpu.memory_space<hbm>>
        %dma_wait3A_291 = tpu.memref_slice %arg2[%multiple_of3A] : memref<40960xf32, #tpu.memory_space<hbm>> -> memref<4160xf32, #tpu.memory_space<hbm>>
        tpu.wait_dma2 semaphore(%arg12 : memref<!tpu.dma_semaphore, #tpu.memory_space<semaphore_mem>>) src(%dma_wait3A_291 : memref<4160xf32, #tpu.memory_space<hbm>>) dst(%arg7 : memref<4160xf32, #tpu.memory_space<vmem>>)
        %broadcast_in_dim3A_292 = arith.constant 0.000000e+00 : f32
        %broadcast_in_dim3A_293 = vector.broadcast %broadcast_in_dim3A_292 : f32 to vector<16xf32>
        %broadcast_in_dim3A_294 = arith.constant 0.000000e+00 : f32
        %broadcast_in_dim3A_295 = vector.broadcast %broadcast_in_dim3A_294 : f32 to vector<16xf32>
        %while3A_296 = arith.constant 0 : i32
        %while3A_297 = arith.subi %min3A_204, %while3A_296 : i32
        %while3A_298 = arith.addi %while3A_296, %while3A_297 : i32
        %while3A_299 = arith.constant 1 : i32
        %while3A_300 = arith.divsi %while3A_297, %while3A_299 : i32
        %while3A_301 = arith.muli %while3A_300, %while3A_299 : i32
        %while3A_302 = arith.addi %while3A_296, %while3A_301 : i32
        %while3A_303 = arith.constant 1 : i32
        %while3A_304:2 = scf.for %while3A_393 = %while3A_296 to %while3A_302 step %while3A_303 iter_args(%while3A_394 = %broadcast_in_dim3A_293, %while3A_395 = %broadcast_in_dim3A_295) -> (vector<16xf32>, vector<16xf32>)  : i32 {
          %mul3A_396 = arith.constant 64 : i32
          %mul3A_397 = arith.muli %while3A_393, %mul3A_396 : i32
          %add3A_398 = arith.constant 0 : i32
          %add3A_399 = arith.addi %mul3A_397, %add3A_398 : i32
          %add3A_400 = arith.addi %multiple_of3A, %add3A_399 : i32
          %add3A_401 = vector.broadcast %add3A_400 : i32 to vector<16xi32>
          %add3A_402 = arith.addi %add3A_401, %iota3A_152 : vector<16xi32>
          %get3A_403 = arith.index_cast %add3A_399 : i32 to index
          %get3A_404 = tpu.vector_load %arg8[%get3A_403] {strides = array<i32>} : memref<4160xf32, #tpu.memory_space<vmem>>, vector<16xf32>,
          %get3A_405 = vector.shape_cast %get3A_404 : vector<16xf32> to vector<16xf32>
          %get3A_406 = arith.index_cast %add3A_399 : i32 to index
          %get3A_407 = tpu.vector_load %arg7[%get3A_406] {strides = array<i32>} : memref<4160xf32, #tpu.memory_space<vmem>>, vector<16xf32>,
          %get3A_408 = vector.shape_cast %get3A_407 : vector<16xf32> to vector<16xf32>
          %ge3A_409 = vector.broadcast %convert_element_type3A_135 : i32 to vector<16xi32>
          %ge3A_410 = arith.cmpi sge, %add3A_402, %ge3A_409 : vector<16xi32>
          %lt3A = vector.broadcast %convert_element_type3A_102 : i32 to vector<16xi32>
          %lt3A_411 = arith.cmpi slt, %add3A_402, %lt3A : vector<16xi32>
          %and3A_412 = arith.andi %ge3A_410, %lt3A_411 : vector<16xi1>
          %sub3A_413 = arith.subf %get3A_405, %max3A_289 : vector<16xf32>
          %exp3A = math.exp %sub3A_413 : vector<16xf32>
          %jit3A_414 = arith.constant 0.000000e+00 : f32
          %broadcast_in_dim3A_415 = vector.broadcast %jit3A_414 : f32 to vector<16xf32>
          %select_n3A_416 = arith.select %and3A_412, %exp3A, %broadcast_in_dim3A_415 : vector<16xi1>, vector<16xf32>
          %add3A_417 = arith.addf %while3A_394, %select_n3A_416 : vector<16xf32>
          %mul3A_418 = arith.mulf %select_n3A_416, %get3A_408 : vector<16xf32>
          %add3A_419 = arith.addf %while3A_395, %mul3A_418 : vector<16xf32>
          %add3A_420 = arith.constant 16 : i32
          %add3A_421 = arith.addi %mul3A_397, %add3A_420 : i32
          %add3A_422 = arith.addi %multiple_of3A, %add3A_421 : i32
          %add3A_423 = vector.broadcast %add3A_422 : i32 to vector<16xi32>
          %add3A_424 = arith.addi %add3A_423, %iota3A_152 : vector<16xi32>
          %get3A_425 = arith.index_cast %add3A_421 : i32 to index
          %get3A_426 = tpu.vector_load %arg8[%get3A_425] {strides = array<i32>} : memref<4160xf32, #tpu.memory_space<vmem>>, vector<16xf32>,
          %get3A_427 = vector.shape_cast %get3A_426 : vector<16xf32> to vector<16xf32>
          %get3A_428 = arith.index_cast %add3A_421 : i32 to index
          %get3A_429 = tpu.vector_load %arg7[%get3A_428] {strides = array<i32>} : memref<4160xf32, #tpu.memory_space<vmem>>, vector<16xf32>,
          %get3A_430 = vector.shape_cast %get3A_429 : vector<16xf32> to vector<16xf32>
          %ge3A_431 = vector.broadcast %convert_element_type3A_135 : i32 to vector<16xi32>
          %ge3A_432 = arith.cmpi sge, %add3A_424, %ge3A_431 : vector<16xi32>
          %lt3A_433 = vector.broadcast %convert_element_type3A_102 : i32 to vector<16xi32>
          %lt3A_434 = arith.cmpi slt, %add3A_424, %lt3A_433 : vector<16xi32>
          %and3A_435 = arith.andi %ge3A_432, %lt3A_434 : vector<16xi1>
          %sub3A_436 = arith.subf %get3A_427, %max3A_289 : vector<16xf32>
          %exp3A_437 = math.exp %sub3A_436 : vector<16xf32>
          %jit3A_438 = arith.constant 0.000000e+00 : f32
          %broadcast_in_dim3A_439 = vector.broadcast %jit3A_438 : f32 to vector<16xf32>
          %select_n3A_440 = arith.select %and3A_435, %exp3A_437, %broadcast_in_dim3A_439 : vector<16xi1>, vector<16xf32>
          %add3A_441 = arith.addf %add3A_417, %select_n3A_440 : vector<16xf32>
          %mul3A_442 = arith.mulf %select_n3A_440, %get3A_430 : vector<16xf32>
          %add3A_443 = arith.addf %add3A_419, %mul3A_442 : vector<16xf32>
          %add3A_444 = arith.constant 32 : i32
          %add3A_445 = arith.addi %mul3A_397, %add3A_444 : i32
          %add3A_446 = arith.addi %multiple_of3A, %add3A_445 : i32
          %add3A_447 = vector.broadcast %add3A_446 : i32 to vector<16xi32>
          %add3A_448 = arith.addi %add3A_447, %iota3A_152 : vector<16xi32>
          %get3A_449 = arith.index_cast %add3A_445 : i32 to index
          %get3A_450 = tpu.vector_load %arg8[%get3A_449] {strides = array<i32>} : memref<4160xf32, #tpu.memory_space<vmem>>, vector<16xf32>,
          %get3A_451 = vector.shape_cast %get3A_450 : vector<16xf32> to vector<16xf32>
          %get3A_452 = arith.index_cast %add3A_445 : i32 to index
          %get3A_453 = tpu.vector_load %arg7[%get3A_452] {strides = array<i32>} : memref<4160xf32, #tpu.memory_space<vmem>>, vector<16xf32>,
          %get3A_454 = vector.shape_cast %get3A_453 : vector<16xf32> to vector<16xf32>
          %ge3A_455 = vector.broadcast %convert_element_type3A_135 : i32 to vector<16xi32>
          %ge3A_456 = arith.cmpi sge, %add3A_448, %ge3A_455 : vector<16xi32>
          %lt3A_457 = vector.broadcast %convert_element_type3A_102 : i32 to vector<16xi32>
          %lt3A_458 = arith.cmpi slt, %add3A_448, %lt3A_457 : vector<16xi32>
          %and3A_459 = arith.andi %ge3A_456, %lt3A_458 : vector<16xi1>
          %sub3A_460 = arith.subf %get3A_451, %max3A_289 : vector<16xf32>
          %exp3A_461 = math.exp %sub3A_460 : vector<16xf32>
          %jit3A_462 = arith.constant 0.000000e+00 : f32
          %broadcast_in_dim3A_463 = vector.broadcast %jit3A_462 : f32 to vector<16xf32>
          %select_n3A_464 = arith.select %and3A_459, %exp3A_461, %broadcast_in_dim3A_463 : vector<16xi1>, vector<16xf32>
          %add3A_465 = arith.addf %add3A_441, %select_n3A_464 : vector<16xf32>
          %mul3A_466 = arith.mulf %select_n3A_464, %get3A_454 : vector<16xf32>
          %add3A_467 = arith.addf %add3A_443, %mul3A_466 : vector<16xf32>
          %add3A_468 = arith.constant 48 : i32
          %add3A_469 = arith.addi %mul3A_397, %add3A_468 : i32
          %add3A_470 = arith.addi %multiple_of3A, %add3A_469 : i32
          %add3A_471 = vector.broadcast %add3A_470 : i32 to vector<16xi32>
          %add3A_472 = arith.addi %add3A_471, %iota3A_152 : vector<16xi32>
          %get3A_473 = arith.index_cast %add3A_469 : i32 to index
          %get3A_474 = tpu.vector_load %arg8[%get3A_473] {strides = array<i32>} : memref<4160xf32, #tpu.memory_space<vmem>>, vector<16xf32>,
          %get3A_475 = vector.shape_cast %get3A_474 : vector<16xf32> to vector<16xf32>
          %get3A_476 = arith.index_cast %add3A_469 : i32 to index
          %get3A_477 = tpu.vector_load %arg7[%get3A_476] {strides = array<i32>} : memref<4160xf32, #tpu.memory_space<vmem>>, vector<16xf32>,
          %get3A_478 = vector.shape_cast %get3A_477 : vector<16xf32> to vector<16xf32>
          %ge3A_479 = vector.broadcast %convert_element_type3A_135 : i32 to vector<16xi32>
          %ge3A_480 = arith.cmpi sge, %add3A_472, %ge3A_479 : vector<16xi32>
          %lt3A_481 = vector.broadcast %convert_element_type3A_102 : i32 to vector<16xi32>
          %lt3A_482 = arith.cmpi slt, %add3A_472, %lt3A_481 : vector<16xi32>
          %and3A_483 = arith.andi %ge3A_480, %lt3A_482 : vector<16xi1>
          %sub3A_484 = arith.subf %get3A_475, %max3A_289 : vector<16xf32>
          %exp3A_485 = math.exp %sub3A_484 : vector<16xf32>
          %jit3A_486 = arith.constant 0.000000e+00 : f32
          %broadcast_in_dim3A_487 = vector.broadcast %jit3A_486 : f32 to vector<16xf32>
          %select_n3A_488 = arith.select %and3A_483, %exp3A_485, %broadcast_in_dim3A_487 : vector<16xi1>, vector<16xf32>
          %add3A_489 = arith.addf %add3A_465, %select_n3A_488 : vector<16xf32>
          %mul3A_490 = arith.mulf %select_n3A_488, %get3A_478 : vector<16xf32>
          %add3A_491 = arith.addf %add3A_467, %mul3A_490 : vector<16xf32>
          scf.yield %add3A_489, %add3A_491 : vector<16xf32>, vector<16xf32>
        }
        %while3A_305 = arith.constant 1 : i32
        %while3A_306:2 = scf.for %while3A_393 = %while3A_302 to %while3A_298 step %while3A_305 iter_args(%while3A_394 = %while3A_304#0, %while3A_395 = %while3A_304#1) -> (vector<16xf32>, vector<16xf32>)  : i32 {
          %mul3A_396 = arith.constant 64 : i32
          %mul3A_397 = arith.muli %while3A_393, %mul3A_396 : i32
          %add3A_398 = arith.constant 0 : i32
          %add3A_399 = arith.addi %mul3A_397, %add3A_398 : i32
          %add3A_400 = arith.addi %multiple_of3A, %add3A_399 : i32
          %add3A_401 = vector.broadcast %add3A_400 : i32 to vector<16xi32>
          %add3A_402 = arith.addi %add3A_401, %iota3A_152 : vector<16xi32>
          %get3A_403 = arith.index_cast %add3A_399 : i32 to index
          %get3A_404 = tpu.vector_load %arg8[%get3A_403] {strides = array<i32>} : memref<4160xf32, #tpu.memory_space<vmem>>, vector<16xf32>,
          %get3A_405 = vector.shape_cast %get3A_404 : vector<16xf32> to vector<16xf32>
          %get3A_406 = arith.index_cast %add3A_399 : i32 to index
          %get3A_407 = tpu.vector_load %arg7[%get3A_406] {strides = array<i32>} : memref<4160xf32, #tpu.memory_space<vmem>>, vector<16xf32>,
          %get3A_408 = vector.shape_cast %get3A_407 : vector<16xf32> to vector<16xf32>
          %ge3A_409 = vector.broadcast %convert_element_type3A_135 : i32 to vector<16xi32>
          %ge3A_410 = arith.cmpi sge, %add3A_402, %ge3A_409 : vector<16xi32>
          %lt3A = vector.broadcast %convert_element_type3A_102 : i32 to vector<16xi32>
          %lt3A_411 = arith.cmpi slt, %add3A_402, %lt3A : vector<16xi32>
          %and3A_412 = arith.andi %ge3A_410, %lt3A_411 : vector<16xi1>
          %sub3A_413 = arith.subf %get3A_405, %max3A_289 : vector<16xf32>
          %exp3A = math.exp %sub3A_413 : vector<16xf32>
          %jit3A_414 = arith.constant 0.000000e+00 : f32
          %broadcast_in_dim3A_415 = vector.broadcast %jit3A_414 : f32 to vector<16xf32>
          %select_n3A_416 = arith.select %and3A_412, %exp3A, %broadcast_in_dim3A_415 : vector<16xi1>, vector<16xf32>
          %add3A_417 = arith.addf %while3A_394, %select_n3A_416 : vector<16xf32>
          %mul3A_418 = arith.mulf %select_n3A_416, %get3A_408 : vector<16xf32>
          %add3A_419 = arith.addf %while3A_395, %mul3A_418 : vector<16xf32>
          %add3A_420 = arith.constant 16 : i32
          %add3A_421 = arith.addi %mul3A_397, %add3A_420 : i32
          %add3A_422 = arith.addi %multiple_of3A, %add3A_421 : i32
          %add3A_423 = vector.broadcast %add3A_422 : i32 to vector<16xi32>
          %add3A_424 = arith.addi %add3A_423, %iota3A_152 : vector<16xi32>
          %get3A_425 = arith.index_cast %add3A_421 : i32 to index
          %get3A_426 = tpu.vector_load %arg8[%get3A_425] {strides = array<i32>} : memref<4160xf32, #tpu.memory_space<vmem>>, vector<16xf32>,
          %get3A_427 = vector.shape_cast %get3A_426 : vector<16xf32> to vector<16xf32>
          %get3A_428 = arith.index_cast %add3A_421 : i32 to index
          %get3A_429 = tpu.vector_load %arg7[%get3A_428] {strides = array<i32>} : memref<4160xf32, #tpu.memory_space<vmem>>, vector<16xf32>,
          %get3A_430 = vector.shape_cast %get3A_429 : vector<16xf32> to vector<16xf32>
          %ge3A_431 = vector.broadcast %convert_element_type3A_135 : i32 to vector<16xi32>
          %ge3A_432 = arith.cmpi sge, %add3A_424, %ge3A_431 : vector<16xi32>
          %lt3A_433 = vector.broadcast %convert_element_type3A_102 : i32 to vector<16xi32>
          %lt3A_434 = arith.cmpi slt, %add3A_424, %lt3A_433 : vector<16xi32>
          %and3A_435 = arith.andi %ge3A_432, %lt3A_434 : vector<16xi1>
          %sub3A_436 = arith.subf %get3A_427, %max3A_289 : vector<16xf32>
          %exp3A_437 = math.exp %sub3A_436 : vector<16xf32>
          %jit3A_438 = arith.constant 0.000000e+00 : f32
          %broadcast_in_dim3A_439 = vector.broadcast %jit3A_438 : f32 to vector<16xf32>
          %select_n3A_440 = arith.select %and3A_435, %exp3A_437, %broadcast_in_dim3A_439 : vector<16xi1>, vector<16xf32>
          %add3A_441 = arith.addf %add3A_417, %select_n3A_440 : vector<16xf32>
          %mul3A_442 = arith.mulf %select_n3A_440, %get3A_430 : vector<16xf32>
          %add3A_443 = arith.addf %add3A_419, %mul3A_442 : vector<16xf32>
          %add3A_444 = arith.constant 32 : i32
          %add3A_445 = arith.addi %mul3A_397, %add3A_444 : i32
          %add3A_446 = arith.addi %multiple_of3A, %add3A_445 : i32
          %add3A_447 = vector.broadcast %add3A_446 : i32 to vector<16xi32>
          %add3A_448 = arith.addi %add3A_447, %iota3A_152 : vector<16xi32>
          %get3A_449 = arith.index_cast %add3A_445 : i32 to index
          %get3A_450 = tpu.vector_load %arg8[%get3A_449] {strides = array<i32>} : memref<4160xf32, #tpu.memory_space<vmem>>, vector<16xf32>,
          %get3A_451 = vector.shape_cast %get3A_450 : vector<16xf32> to vector<16xf32>
          %get3A_452 = arith.index_cast %add3A_445 : i32 to index
          %get3A_453 = tpu.vector_load %arg7[%get3A_452] {strides = array<i32>} : memref<4160xf32, #tpu.memory_space<vmem>>, vector<16xf32>,
          %get3A_454 = vector.shape_cast %get3A_453 : vector<16xf32> to vector<16xf32>
          %ge3A_455 = vector.broadcast %convert_element_type3A_135 : i32 to vector<16xi32>
          %ge3A_456 = arith.cmpi sge, %add3A_448, %ge3A_455 : vector<16xi32>
          %lt3A_457 = vector.broadcast %convert_element_type3A_102 : i32 to vector<16xi32>
          %lt3A_458 = arith.cmpi slt, %add3A_448, %lt3A_457 : vector<16xi32>
          %and3A_459 = arith.andi %ge3A_456, %lt3A_458 : vector<16xi1>
          %sub3A_460 = arith.subf %get3A_451, %max3A_289 : vector<16xf32>
          %exp3A_461 = math.exp %sub3A_460 : vector<16xf32>
          %jit3A_462 = arith.constant 0.000000e+00 : f32
          %broadcast_in_dim3A_463 = vector.broadcast %jit3A_462 : f32 to vector<16xf32>
          %select_n3A_464 = arith.select %and3A_459, %exp3A_461, %broadcast_in_dim3A_463 : vector<16xi1>, vector<16xf32>
          %add3A_465 = arith.addf %add3A_441, %select_n3A_464 : vector<16xf32>
          %mul3A_466 = arith.mulf %select_n3A_464, %get3A_454 : vector<16xf32>
          %add3A_467 = arith.addf %add3A_443, %mul3A_466 : vector<16xf32>
          %add3A_468 = arith.constant 48 : i32
          %add3A_469 = arith.addi %mul3A_397, %add3A_468 : i32
          %add3A_470 = arith.addi %multiple_of3A, %add3A_469 : i32
          %add3A_471 = vector.broadcast %add3A_470 : i32 to vector<16xi32>
          %add3A_472 = arith.addi %add3A_471, %iota3A_152 : vector<16xi32>
          %get3A_473 = arith.index_cast %add3A_469 : i32 to index
          %get3A_474 = tpu.vector_load %arg8[%get3A_473] {strides = array<i32>} : memref<4160xf32, #tpu.memory_space<vmem>>, vector<16xf32>,
          %get3A_475 = vector.shape_cast %get3A_474 : vector<16xf32> to vector<16xf32>
          %get3A_476 = arith.index_cast %add3A_469 : i32 to index
          %get3A_477 = tpu.vector_load %arg7[%get3A_476] {strides = array<i32>} : memref<4160xf32, #tpu.memory_space<vmem>>, vector<16xf32>,
          %get3A_478 = vector.shape_cast %get3A_477 : vector<16xf32> to vector<16xf32>
          %ge3A_479 = vector.broadcast %convert_element_type3A_135 : i32 to vector<16xi32>
          %ge3A_480 = arith.cmpi sge, %add3A_472, %ge3A_479 : vector<16xi32>
          %lt3A_481 = vector.broadcast %convert_element_type3A_102 : i32 to vector<16xi32>
          %lt3A_482 = arith.cmpi slt, %add3A_472, %lt3A_481 : vector<16xi32>
          %and3A_483 = arith.andi %ge3A_480, %lt3A_482 : vector<16xi1>
          %sub3A_484 = arith.subf %get3A_475, %max3A_289 : vector<16xf32>
          %exp3A_485 = math.exp %sub3A_484 : vector<16xf32>
          %jit3A_486 = arith.constant 0.000000e+00 : f32
          %broadcast_in_dim3A_487 = vector.broadcast %jit3A_486 : f32 to vector<16xf32>
          %select_n3A_488 = arith.select %and3A_483, %exp3A_485, %broadcast_in_dim3A_487 : vector<16xi1>, vector<16xf32>
          %add3A_489 = arith.addf %add3A_465, %select_n3A_488 : vector<16xf32>
          %mul3A_490 = arith.mulf %select_n3A_488, %get3A_478 : vector<16xf32>
          %add3A_491 = arith.addf %add3A_467, %mul3A_490 : vector<16xf32>
          scf.yield %add3A_489, %add3A_491 : vector<16xf32>, vector<16xf32>
        }
        %while3A_307 = arith.subi %max3A_229, %min3A_204 : i32
        %while3A_308 = arith.addi %min3A_204, %while3A_307 : i32
        %while3A_309 = arith.constant 1 : i32
        %while3A_310 = arith.divsi %while3A_307, %while3A_309 : i32
        %while3A_311 = arith.muli %while3A_310, %while3A_309 : i32
        %while3A_312 = arith.addi %min3A_204, %while3A_311 : i32
        %while3A_313 = arith.constant 1 : i32
        %while3A_314:2 = scf.for %while3A_393 = %min3A_204 to %while3A_312 step %while3A_313 iter_args(%while3A_394 = %while3A_306#0, %while3A_395 = %while3A_306#1) -> (vector<16xf32>, vector<16xf32>)  : i32 {
          %mul3A_396 = arith.constant 64 : i32
          %mul3A_397 = arith.muli %while3A_393, %mul3A_396 : i32
          %add3A_398 = arith.constant 0 : i32
          %add3A_399 = arith.addi %mul3A_397, %add3A_398 : i32
          %get3A_400 = arith.index_cast %add3A_399 : i32 to index
          %get3A_401 = tpu.vector_load %arg8[%get3A_400] {strides = array<i32>} : memref<4160xf32, #tpu.memory_space<vmem>>, vector<16xf32>,
          %get3A_402 = vector.shape_cast %get3A_401 : vector<16xf32> to vector<16xf32>
          %sub3A_403 = arith.subf %get3A_402, %max3A_289 : vector<16xf32>
          %exp3A = math.exp %sub3A_403 : vector<16xf32>
          %add3A_404 = arith.addf %while3A_394, %exp3A : vector<16xf32>
          %get3A_405 = arith.index_cast %add3A_399 : i32 to index
          %get3A_406 = tpu.vector_load %arg7[%get3A_405] {strides = array<i32>} : memref<4160xf32, #tpu.memory_space<vmem>>, vector<16xf32>,
          %get3A_407 = vector.shape_cast %get3A_406 : vector<16xf32> to vector<16xf32>
          %mul3A_408 = arith.mulf %exp3A, %get3A_407 : vector<16xf32>
          %add3A_409 = arith.addf %while3A_395, %mul3A_408 : vector<16xf32>
          %add3A_410 = arith.constant 16 : i32
          %add3A_411 = arith.addi %mul3A_397, %add3A_410 : i32
          %get3A_412 = arith.index_cast %add3A_411 : i32 to index
          %get3A_413 = tpu.vector_load %arg8[%get3A_412] {strides = array<i32>} : memref<4160xf32, #tpu.memory_space<vmem>>, vector<16xf32>,
          %get3A_414 = vector.shape_cast %get3A_413 : vector<16xf32> to vector<16xf32>
          %sub3A_415 = arith.subf %get3A_414, %max3A_289 : vector<16xf32>
          %exp3A_416 = math.exp %sub3A_415 : vector<16xf32>
          %add3A_417 = arith.addf %add3A_404, %exp3A_416 : vector<16xf32>
          %get3A_418 = arith.index_cast %add3A_411 : i32 to index
          %get3A_419 = tpu.vector_load %arg7[%get3A_418] {strides = array<i32>} : memref<4160xf32, #tpu.memory_space<vmem>>, vector<16xf32>,
          %get3A_420 = vector.shape_cast %get3A_419 : vector<16xf32> to vector<16xf32>
          %mul3A_421 = arith.mulf %exp3A_416, %get3A_420 : vector<16xf32>
          %add3A_422 = arith.addf %add3A_409, %mul3A_421 : vector<16xf32>
          %add3A_423 = arith.constant 32 : i32
          %add3A_424 = arith.addi %mul3A_397, %add3A_423 : i32
          %get3A_425 = arith.index_cast %add3A_424 : i32 to index
          %get3A_426 = tpu.vector_load %arg8[%get3A_425] {strides = array<i32>} : memref<4160xf32, #tpu.memory_space<vmem>>, vector<16xf32>,
          %get3A_427 = vector.shape_cast %get3A_426 : vector<16xf32> to vector<16xf32>
          %sub3A_428 = arith.subf %get3A_427, %max3A_289 : vector<16xf32>
          %exp3A_429 = math.exp %sub3A_428 : vector<16xf32>
          %add3A_430 = arith.addf %add3A_417, %exp3A_429 : vector<16xf32>
          %get3A_431 = arith.index_cast %add3A_424 : i32 to index
          %get3A_432 = tpu.vector_load %arg7[%get3A_431] {strides = array<i32>} : memref<4160xf32, #tpu.memory_space<vmem>>, vector<16xf32>,
          %get3A_433 = vector.shape_cast %get3A_432 : vector<16xf32> to vector<16xf32>
          %mul3A_434 = arith.mulf %exp3A_429, %get3A_433 : vector<16xf32>
          %add3A_435 = arith.addf %add3A_422, %mul3A_434 : vector<16xf32>
          %add3A_436 = arith.constant 48 : i32
          %add3A_437 = arith.addi %mul3A_397, %add3A_436 : i32
          %get3A_438 = arith.index_cast %add3A_437 : i32 to index
          %get3A_439 = tpu.vector_load %arg8[%get3A_438] {strides = array<i32>} : memref<4160xf32, #tpu.memory_space<vmem>>, vector<16xf32>,
          %get3A_440 = vector.shape_cast %get3A_439 : vector<16xf32> to vector<16xf32>
          %sub3A_441 = arith.subf %get3A_440, %max3A_289 : vector<16xf32>
          %exp3A_442 = math.exp %sub3A_441 : vector<16xf32>
          %add3A_443 = arith.addf %add3A_430, %exp3A_442 : vector<16xf32>
          %get3A_444 = arith.index_cast %add3A_437 : i32 to index
          %get3A_445 = tpu.vector_load %arg7[%get3A_444] {strides = array<i32>} : memref<4160xf32, #tpu.memory_space<vmem>>, vector<16xf32>,
          %get3A_446 = vector.shape_cast %get3A_445 : vector<16xf32> to vector<16xf32>
          %mul3A_447 = arith.mulf %exp3A_442, %get3A_446 : vector<16xf32>
          %add3A_448 = arith.addf %add3A_435, %mul3A_447 : vector<16xf32>
          scf.yield %add3A_443, %add3A_448 : vector<16xf32>, vector<16xf32>
        }
        %while3A_315 = arith.constant 1 : i32
        %while3A_316:2 = scf.for %while3A_393 = %while3A_312 to %while3A_308 step %while3A_315 iter_args(%while3A_394 = %while3A_314#0, %while3A_395 = %while3A_314#1) -> (vector<16xf32>, vector<16xf32>)  : i32 {
          %mul3A_396 = arith.constant 64 : i32
          %mul3A_397 = arith.muli %while3A_393, %mul3A_396 : i32
          %add3A_398 = arith.constant 0 : i32
          %add3A_399 = arith.addi %mul3A_397, %add3A_398 : i32
          %get3A_400 = arith.index_cast %add3A_399 : i32 to index
          %get3A_401 = tpu.vector_load %arg8[%get3A_400] {strides = array<i32>} : memref<4160xf32, #tpu.memory_space<vmem>>, vector<16xf32>,
          %get3A_402 = vector.shape_cast %get3A_401 : vector<16xf32> to vector<16xf32>
          %sub3A_403 = arith.subf %get3A_402, %max3A_289 : vector<16xf32>
          %exp3A = math.exp %sub3A_403 : vector<16xf32>
          %add3A_404 = arith.addf %while3A_394, %exp3A : vector<16xf32>
          %get3A_405 = arith.index_cast %add3A_399 : i32 to index
          %get3A_406 = tpu.vector_load %arg7[%get3A_405] {strides = array<i32>} : memref<4160xf32, #tpu.memory_space<vmem>>, vector<16xf32>,
          %get3A_407 = vector.shape_cast %get3A_406 : vector<16xf32> to vector<16xf32>
          %mul3A_408 = arith.mulf %exp3A, %get3A_407 : vector<16xf32>
          %add3A_409 = arith.addf %while3A_395, %mul3A_408 : vector<16xf32>
          %add3A_410 = arith.constant 16 : i32
          %add3A_411 = arith.addi %mul3A_397, %add3A_410 : i32
          %get3A_412 = arith.index_cast %add3A_411 : i32 to index
          %get3A_413 = tpu.vector_load %arg8[%get3A_412] {strides = array<i32>} : memref<4160xf32, #tpu.memory_space<vmem>>, vector<16xf32>,
          %get3A_414 = vector.shape_cast %get3A_413 : vector<16xf32> to vector<16xf32>
          %sub3A_415 = arith.subf %get3A_414, %max3A_289 : vector<16xf32>
          %exp3A_416 = math.exp %sub3A_415 : vector<16xf32>
          %add3A_417 = arith.addf %add3A_404, %exp3A_416 : vector<16xf32>
          %get3A_418 = arith.index_cast %add3A_411 : i32 to index
          %get3A_419 = tpu.vector_load %arg7[%get3A_418] {strides = array<i32>} : memref<4160xf32, #tpu.memory_space<vmem>>, vector<16xf32>,
          %get3A_420 = vector.shape_cast %get3A_419 : vector<16xf32> to vector<16xf32>
          %mul3A_421 = arith.mulf %exp3A_416, %get3A_420 : vector<16xf32>
          %add3A_422 = arith.addf %add3A_409, %mul3A_421 : vector<16xf32>
          %add3A_423 = arith.constant 32 : i32
          %add3A_424 = arith.addi %mul3A_397, %add3A_423 : i32
          %get3A_425 = arith.index_cast %add3A_424 : i32 to index
          %get3A_426 = tpu.vector_load %arg8[%get3A_425] {strides = array<i32>} : memref<4160xf32, #tpu.memory_space<vmem>>, vector<16xf32>,
          %get3A_427 = vector.shape_cast %get3A_426 : vector<16xf32> to vector<16xf32>
          %sub3A_428 = arith.subf %get3A_427, %max3A_289 : vector<16xf32>
          %exp3A_429 = math.exp %sub3A_428 : vector<16xf32>
          %add3A_430 = arith.addf %add3A_417, %exp3A_429 : vector<16xf32>
          %get3A_431 = arith.index_cast %add3A_424 : i32 to index
          %get3A_432 = tpu.vector_load %arg7[%get3A_431] {strides = array<i32>} : memref<4160xf32, #tpu.memory_space<vmem>>, vector<16xf32>,
          %get3A_433 = vector.shape_cast %get3A_432 : vector<16xf32> to vector<16xf32>
          %mul3A_434 = arith.mulf %exp3A_429, %get3A_433 : vector<16xf32>
          %add3A_435 = arith.addf %add3A_422, %mul3A_434 : vector<16xf32>
          %add3A_436 = arith.constant 48 : i32
          %add3A_437 = arith.addi %mul3A_397, %add3A_436 : i32
          %get3A_438 = arith.index_cast %add3A_437 : i32 to index
          %get3A_439 = tpu.vector_load %arg8[%get3A_438] {strides = array<i32>} : memref<4160xf32, #tpu.memory_space<vmem>>, vector<16xf32>,
          %get3A_440 = vector.shape_cast %get3A_439 : vector<16xf32> to vector<16xf32>
          %sub3A_441 = arith.subf %get3A_440, %max3A_289 : vector<16xf32>
          %exp3A_442 = math.exp %sub3A_441 : vector<16xf32>
          %add3A_443 = arith.addf %add3A_430, %exp3A_442 : vector<16xf32>
          %get3A_444 = arith.index_cast %add3A_437 : i32 to index
          %get3A_445 = tpu.vector_load %arg7[%get3A_444] {strides = array<i32>} : memref<4160xf32, #tpu.memory_space<vmem>>, vector<16xf32>,
          %get3A_446 = vector.shape_cast %get3A_445 : vector<16xf32> to vector<16xf32>
          %mul3A_447 = arith.mulf %exp3A_442, %get3A_446 : vector<16xf32>
          %add3A_448 = arith.addf %add3A_435, %mul3A_447 : vector<16xf32>
          scf.yield %add3A_443, %add3A_448 : vector<16xf32>, vector<16xf32>
        }
        %while3A_317 = arith.subi %select_n3A_177, %max3A_229 : i32
        %while3A_318 = arith.addi %max3A_229, %while3A_317 : i32
        %while3A_319 = arith.constant 1 : i32
        %while3A_320 = arith.divsi %while3A_317, %while3A_319 : i32
        %while3A_321 = arith.muli %while3A_320, %while3A_319 : i32
        %while3A_322 = arith.addi %max3A_229, %while3A_321 : i32
        %while3A_323 = arith.constant 1 : i32
        %while3A_324:2 = scf.for %while3A_393 = %max3A_229 to %while3A_322 step %while3A_323 iter_args(%while3A_394 = %while3A_316#0, %while3A_395 = %while3A_316#1) -> (vector<16xf32>, vector<16xf32>)  : i32 {
          %mul3A_396 = arith.constant 64 : i32
          %mul3A_397 = arith.muli %while3A_393, %mul3A_396 : i32
          %add3A_398 = arith.constant 0 : i32
          %add3A_399 = arith.addi %mul3A_397, %add3A_398 : i32
          %add3A_400 = arith.addi %multiple_of3A, %add3A_399 : i32
          %add3A_401 = vector.broadcast %add3A_400 : i32 to vector<16xi32>
          %add3A_402 = arith.addi %add3A_401, %iota3A_152 : vector<16xi32>
          %get3A_403 = arith.index_cast %add3A_399 : i32 to index
          %get3A_404 = tpu.vector_load %arg8[%get3A_403] {strides = array<i32>} : memref<4160xf32, #tpu.memory_space<vmem>>, vector<16xf32>,
          %get3A_405 = vector.shape_cast %get3A_404 : vector<16xf32> to vector<16xf32>
          %get3A_406 = arith.index_cast %add3A_399 : i32 to index
          %get3A_407 = tpu.vector_load %arg7[%get3A_406] {strides = array<i32>} : memref<4160xf32, #tpu.memory_space<vmem>>, vector<16xf32>,
          %get3A_408 = vector.shape_cast %get3A_407 : vector<16xf32> to vector<16xf32>
          %ge3A_409 = vector.broadcast %convert_element_type3A_135 : i32 to vector<16xi32>
          %ge3A_410 = arith.cmpi sge, %add3A_402, %ge3A_409 : vector<16xi32>
          %lt3A = vector.broadcast %convert_element_type3A_102 : i32 to vector<16xi32>
          %lt3A_411 = arith.cmpi slt, %add3A_402, %lt3A : vector<16xi32>
          %and3A_412 = arith.andi %ge3A_410, %lt3A_411 : vector<16xi1>
          %sub3A_413 = arith.subf %get3A_405, %max3A_289 : vector<16xf32>
          %exp3A = math.exp %sub3A_413 : vector<16xf32>
          %jit3A_414 = arith.constant 0.000000e+00 : f32
          %broadcast_in_dim3A_415 = vector.broadcast %jit3A_414 : f32 to vector<16xf32>
          %select_n3A_416 = arith.select %and3A_412, %exp3A, %broadcast_in_dim3A_415 : vector<16xi1>, vector<16xf32>
          %add3A_417 = arith.addf %while3A_394, %select_n3A_416 : vector<16xf32>
          %mul3A_418 = arith.mulf %select_n3A_416, %get3A_408 : vector<16xf32>
          %add3A_419 = arith.addf %while3A_395, %mul3A_418 : vector<16xf32>
          %add3A_420 = arith.constant 16 : i32
          %add3A_421 = arith.addi %mul3A_397, %add3A_420 : i32
          %add3A_422 = arith.addi %multiple_of3A, %add3A_421 : i32
          %add3A_423 = vector.broadcast %add3A_422 : i32 to vector<16xi32>
          %add3A_424 = arith.addi %add3A_423, %iota3A_152 : vector<16xi32>
          %get3A_425 = arith.index_cast %add3A_421 : i32 to index
          %get3A_426 = tpu.vector_load %arg8[%get3A_425] {strides = array<i32>} : memref<4160xf32, #tpu.memory_space<vmem>>, vector<16xf32>,
          %get3A_427 = vector.shape_cast %get3A_426 : vector<16xf32> to vector<16xf32>
          %get3A_428 = arith.index_cast %add3A_421 : i32 to index
          %get3A_429 = tpu.vector_load %arg7[%get3A_428] {strides = array<i32>} : memref<4160xf32, #tpu.memory_space<vmem>>, vector<16xf32>,
          %get3A_430 = vector.shape_cast %get3A_429 : vector<16xf32> to vector<16xf32>
          %ge3A_431 = vector.broadcast %convert_element_type3A_135 : i32 to vector<16xi32>
          %ge3A_432 = arith.cmpi sge, %add3A_424, %ge3A_431 : vector<16xi32>
          %lt3A_433 = vector.broadcast %convert_element_type3A_102 : i32 to vector<16xi32>
          %lt3A_434 = arith.cmpi slt, %add3A_424, %lt3A_433 : vector<16xi32>
          %and3A_435 = arith.andi %ge3A_432, %lt3A_434 : vector<16xi1>
          %sub3A_436 = arith.subf %get3A_427, %max3A_289 : vector<16xf32>
          %exp3A_437 = math.exp %sub3A_436 : vector<16xf32>
          %jit3A_438 = arith.constant 0.000000e+00 : f32
          %broadcast_in_dim3A_439 = vector.broadcast %jit3A_438 : f32 to vector<16xf32>
          %select_n3A_440 = arith.select %and3A_435, %exp3A_437, %broadcast_in_dim3A_439 : vector<16xi1>, vector<16xf32>
          %add3A_441 = arith.addf %add3A_417, %select_n3A_440 : vector<16xf32>
          %mul3A_442 = arith.mulf %select_n3A_440, %get3A_430 : vector<16xf32>
          %add3A_443 = arith.addf %add3A_419, %mul3A_442 : vector<16xf32>
          %add3A_444 = arith.constant 32 : i32
          %add3A_445 = arith.addi %mul3A_397, %add3A_444 : i32
          %add3A_446 = arith.addi %multiple_of3A, %add3A_445 : i32
          %add3A_447 = vector.broadcast %add3A_446 : i32 to vector<16xi32>
          %add3A_448 = arith.addi %add3A_447, %iota3A_152 : vector<16xi32>
          %get3A_449 = arith.index_cast %add3A_445 : i32 to index
          %get3A_450 = tpu.vector_load %arg8[%get3A_449] {strides = array<i32>} : memref<4160xf32, #tpu.memory_space<vmem>>, vector<16xf32>,
          %get3A_451 = vector.shape_cast %get3A_450 : vector<16xf32> to vector<16xf32>
          %get3A_452 = arith.index_cast %add3A_445 : i32 to index
          %get3A_453 = tpu.vector_load %arg7[%get3A_452] {strides = array<i32>} : memref<4160xf32, #tpu.memory_space<vmem>>, vector<16xf32>,
          %get3A_454 = vector.shape_cast %get3A_453 : vector<16xf32> to vector<16xf32>
          %ge3A_455 = vector.broadcast %convert_element_type3A_135 : i32 to vector<16xi32>
          %ge3A_456 = arith.cmpi sge, %add3A_448, %ge3A_455 : vector<16xi32>
          %lt3A_457 = vector.broadcast %convert_element_type3A_102 : i32 to vector<16xi32>
          %lt3A_458 = arith.cmpi slt, %add3A_448, %lt3A_457 : vector<16xi32>
          %and3A_459 = arith.andi %ge3A_456, %lt3A_458 : vector<16xi1>
          %sub3A_460 = arith.subf %get3A_451, %max3A_289 : vector<16xf32>
          %exp3A_461 = math.exp %sub3A_460 : vector<16xf32>
          %jit3A_462 = arith.constant 0.000000e+00 : f32
          %broadcast_in_dim3A_463 = vector.broadcast %jit3A_462 : f32 to vector<16xf32>
          %select_n3A_464 = arith.select %and3A_459, %exp3A_461, %broadcast_in_dim3A_463 : vector<16xi1>, vector<16xf32>
          %add3A_465 = arith.addf %add3A_441, %select_n3A_464 : vector<16xf32>
          %mul3A_466 = arith.mulf %select_n3A_464, %get3A_454 : vector<16xf32>
          %add3A_467 = arith.addf %add3A_443, %mul3A_466 : vector<16xf32>
          %add3A_468 = arith.constant 48 : i32
          %add3A_469 = arith.addi %mul3A_397, %add3A_468 : i32
          %add3A_470 = arith.addi %multiple_of3A, %add3A_469 : i32
          %add3A_471 = vector.broadcast %add3A_470 : i32 to vector<16xi32>
          %add3A_472 = arith.addi %add3A_471, %iota3A_152 : vector<16xi32>
          %get3A_473 = arith.index_cast %add3A_469 : i32 to index
          %get3A_474 = tpu.vector_load %arg8[%get3A_473] {strides = array<i32>} : memref<4160xf32, #tpu.memory_space<vmem>>, vector<16xf32>,
          %get3A_475 = vector.shape_cast %get3A_474 : vector<16xf32> to vector<16xf32>
          %get3A_476 = arith.index_cast %add3A_469 : i32 to index
          %get3A_477 = tpu.vector_load %arg7[%get3A_476] {strides = array<i32>} : memref<4160xf32, #tpu.memory_space<vmem>>, vector<16xf32>,
          %get3A_478 = vector.shape_cast %get3A_477 : vector<16xf32> to vector<16xf32>
          %ge3A_479 = vector.broadcast %convert_element_type3A_135 : i32 to vector<16xi32>
          %ge3A_480 = arith.cmpi sge, %add3A_472, %ge3A_479 : vector<16xi32>
          %lt3A_481 = vector.broadcast %convert_element_type3A_102 : i32 to vector<16xi32>
          %lt3A_482 = arith.cmpi slt, %add3A_472, %lt3A_481 : vector<16xi32>
          %and3A_483 = arith.andi %ge3A_480, %lt3A_482 : vector<16xi1>
          %sub3A_484 = arith.subf %get3A_475, %max3A_289 : vector<16xf32>
          %exp3A_485 = math.exp %sub3A_484 : vector<16xf32>
          %jit3A_486 = arith.constant 0.000000e+00 : f32
          %broadcast_in_dim3A_487 = vector.broadcast %jit3A_486 : f32 to vector<16xf32>
          %select_n3A_488 = arith.select %and3A_483, %exp3A_485, %broadcast_in_dim3A_487 : vector<16xi1>, vector<16xf32>
          %add3A_489 = arith.addf %add3A_465, %select_n3A_488 : vector<16xf32>
          %mul3A_490 = arith.mulf %select_n3A_488, %get3A_478 : vector<16xf32>
          %add3A_491 = arith.addf %add3A_467, %mul3A_490 : vector<16xf32>
          scf.yield %add3A_489, %add3A_491 : vector<16xf32>, vector<16xf32>
        }
        %while3A_325 = arith.constant 1 : i32
        %while3A_326:2 = scf.for %while3A_393 = %while3A_322 to %while3A_318 step %while3A_325 iter_args(%while3A_394 = %while3A_324#0, %while3A_395 = %while3A_324#1) -> (vector<16xf32>, vector<16xf32>)  : i32 {
          %mul3A_396 = arith.constant 64 : i32
          %mul3A_397 = arith.muli %while3A_393, %mul3A_396 : i32
          %add3A_398 = arith.constant 0 : i32
          %add3A_399 = arith.addi %mul3A_397, %add3A_398 : i32
          %add3A_400 = arith.addi %multiple_of3A, %add3A_399 : i32
          %add3A_401 = vector.broadcast %add3A_400 : i32 to vector<16xi32>
          %add3A_402 = arith.addi %add3A_401, %iota3A_152 : vector<16xi32>
          %get3A_403 = arith.index_cast %add3A_399 : i32 to index
          %get3A_404 = tpu.vector_load %arg8[%get3A_403] {strides = array<i32>} : memref<4160xf32, #tpu.memory_space<vmem>>, vector<16xf32>,
          %get3A_405 = vector.shape_cast %get3A_404 : vector<16xf32> to vector<16xf32>
          %get3A_406 = arith.index_cast %add3A_399 : i32 to index
          %get3A_407 = tpu.vector_load %arg7[%get3A_406] {strides = array<i32>} : memref<4160xf32, #tpu.memory_space<vmem>>, vector<16xf32>,
          %get3A_408 = vector.shape_cast %get3A_407 : vector<16xf32> to vector<16xf32>
          %ge3A_409 = vector.broadcast %convert_element_type3A_135 : i32 to vector<16xi32>
          %ge3A_410 = arith.cmpi sge, %add3A_402, %ge3A_409 : vector<16xi32>
          %lt3A = vector.broadcast %convert_element_type3A_102 : i32 to vector<16xi32>
          %lt3A_411 = arith.cmpi slt, %add3A_402, %lt3A : vector<16xi32>
          %and3A_412 = arith.andi %ge3A_410, %lt3A_411 : vector<16xi1>
          %sub3A_413 = arith.subf %get3A_405, %max3A_289 : vector<16xf32>
          %exp3A = math.exp %sub3A_413 : vector<16xf32>
          %jit3A_414 = arith.constant 0.000000e+00 : f32
          %broadcast_in_dim3A_415 = vector.broadcast %jit3A_414 : f32 to vector<16xf32>
          %select_n3A_416 = arith.select %and3A_412, %exp3A, %broadcast_in_dim3A_415 : vector<16xi1>, vector<16xf32>
          %add3A_417 = arith.addf %while3A_394, %select_n3A_416 : vector<16xf32>
          %mul3A_418 = arith.mulf %select_n3A_416, %get3A_408 : vector<16xf32>
          %add3A_419 = arith.addf %while3A_395, %mul3A_418 : vector<16xf32>
          %add3A_420 = arith.constant 16 : i32
          %add3A_421 = arith.addi %mul3A_397, %add3A_420 : i32
          %add3A_422 = arith.addi %multiple_of3A, %add3A_421 : i32
          %add3A_423 = vector.broadcast %add3A_422 : i32 to vector<16xi32>
          %add3A_424 = arith.addi %add3A_423, %iota3A_152 : vector<16xi32>
          %get3A_425 = arith.index_cast %add3A_421 : i32 to index
          %get3A_426 = tpu.vector_load %arg8[%get3A_425] {strides = array<i32>} : memref<4160xf32, #tpu.memory_space<vmem>>, vector<16xf32>,
          %get3A_427 = vector.shape_cast %get3A_426 : vector<16xf32> to vector<16xf32>
          %get3A_428 = arith.index_cast %add3A_421 : i32 to index
          %get3A_429 = tpu.vector_load %arg7[%get3A_428] {strides = array<i32>} : memref<4160xf32, #tpu.memory_space<vmem>>, vector<16xf32>,
          %get3A_430 = vector.shape_cast %get3A_429 : vector<16xf32> to vector<16xf32>
          %ge3A_431 = vector.broadcast %convert_element_type3A_135 : i32 to vector<16xi32>
          %ge3A_432 = arith.cmpi sge, %add3A_424, %ge3A_431 : vector<16xi32>
          %lt3A_433 = vector.broadcast %convert_element_type3A_102 : i32 to vector<16xi32>
          %lt3A_434 = arith.cmpi slt, %add3A_424, %lt3A_433 : vector<16xi32>
          %and3A_435 = arith.andi %ge3A_432, %lt3A_434 : vector<16xi1>
          %sub3A_436 = arith.subf %get3A_427, %max3A_289 : vector<16xf32>
          %exp3A_437 = math.exp %sub3A_436 : vector<16xf32>
          %jit3A_438 = arith.constant 0.000000e+00 : f32
          %broadcast_in_dim3A_439 = vector.broadcast %jit3A_438 : f32 to vector<16xf32>
          %select_n3A_440 = arith.select %and3A_435, %exp3A_437, %broadcast_in_dim3A_439 : vector<16xi1>, vector<16xf32>
          %add3A_441 = arith.addf %add3A_417, %select_n3A_440 : vector<16xf32>
          %mul3A_442 = arith.mulf %select_n3A_440, %get3A_430 : vector<16xf32>
          %add3A_443 = arith.addf %add3A_419, %mul3A_442 : vector<16xf32>
          %add3A_444 = arith.constant 32 : i32
          %add3A_445 = arith.addi %mul3A_397, %add3A_444 : i32
          %add3A_446 = arith.addi %multiple_of3A, %add3A_445 : i32
          %add3A_447 = vector.broadcast %add3A_446 : i32 to vector<16xi32>
          %add3A_448 = arith.addi %add3A_447, %iota3A_152 : vector<16xi32>
          %get3A_449 = arith.index_cast %add3A_445 : i32 to index
          %get3A_450 = tpu.vector_load %arg8[%get3A_449] {strides = array<i32>} : memref<4160xf32, #tpu.memory_space<vmem>>, vector<16xf32>,
          %get3A_451 = vector.shape_cast %get3A_450 : vector<16xf32> to vector<16xf32>
          %get3A_452 = arith.index_cast %add3A_445 : i32 to index
          %get3A_453 = tpu.vector_load %arg7[%get3A_452] {strides = array<i32>} : memref<4160xf32, #tpu.memory_space<vmem>>, vector<16xf32>,
          %get3A_454 = vector.shape_cast %get3A_453 : vector<16xf32> to vector<16xf32>
          %ge3A_455 = vector.broadcast %convert_element_type3A_135 : i32 to vector<16xi32>
          %ge3A_456 = arith.cmpi sge, %add3A_448, %ge3A_455 : vector<16xi32>
          %lt3A_457 = vector.broadcast %convert_element_type3A_102 : i32 to vector<16xi32>
          %lt3A_458 = arith.cmpi slt, %add3A_448, %lt3A_457 : vector<16xi32>
          %and3A_459 = arith.andi %ge3A_456, %lt3A_458 : vector<16xi1>
          %sub3A_460 = arith.subf %get3A_451, %max3A_289 : vector<16xf32>
          %exp3A_461 = math.exp %sub3A_460 : vector<16xf32>
          %jit3A_462 = arith.constant 0.000000e+00 : f32
          %broadcast_in_dim3A_463 = vector.broadcast %jit3A_462 : f32 to vector<16xf32>
          %select_n3A_464 = arith.select %and3A_459, %exp3A_461, %broadcast_in_dim3A_463 : vector<16xi1>, vector<16xf32>
          %add3A_465 = arith.addf %add3A_441, %select_n3A_464 : vector<16xf32>
          %mul3A_466 = arith.mulf %select_n3A_464, %get3A_454 : vector<16xf32>
          %add3A_467 = arith.addf %add3A_443, %mul3A_466 : vector<16xf32>
          %add3A_468 = arith.constant 48 : i32
          %add3A_469 = arith.addi %mul3A_397, %add3A_468 : i32
          %add3A_470 = arith.addi %multiple_of3A, %add3A_469 : i32
          %add3A_471 = vector.broadcast %add3A_470 : i32 to vector<16xi32>
          %add3A_472 = arith.addi %add3A_471, %iota3A_152 : vector<16xi32>
          %get3A_473 = arith.index_cast %add3A_469 : i32 to index
          %get3A_474 = tpu.vector_load %arg8[%get3A_473] {strides = array<i32>} : memref<4160xf32, #tpu.memory_space<vmem>>, vector<16xf32>,
          %get3A_475 = vector.shape_cast %get3A_474 : vector<16xf32> to vector<16xf32>
          %get3A_476 = arith.index_cast %add3A_469 : i32 to index
          %get3A_477 = tpu.vector_load %arg7[%get3A_476] {strides = array<i32>} : memref<4160xf32, #tpu.memory_space<vmem>>, vector<16xf32>,
          %get3A_478 = vector.shape_cast %get3A_477 : vector<16xf32> to vector<16xf32>
          %ge3A_479 = vector.broadcast %convert_element_type3A_135 : i32 to vector<16xi32>
          %ge3A_480 = arith.cmpi sge, %add3A_472, %ge3A_479 : vector<16xi32>
          %lt3A_481 = vector.broadcast %convert_element_type3A_102 : i32 to vector<16xi32>
          %lt3A_482 = arith.cmpi slt, %add3A_472, %lt3A_481 : vector<16xi32>
          %and3A_483 = arith.andi %ge3A_480, %lt3A_482 : vector<16xi1>
          %sub3A_484 = arith.subf %get3A_475, %max3A_289 : vector<16xf32>
          %exp3A_485 = math.exp %sub3A_484 : vector<16xf32>
          %jit3A_486 = arith.constant 0.000000e+00 : f32
          %broadcast_in_dim3A_487 = vector.broadcast %jit3A_486 : f32 to vector<16xf32>
          %select_n3A_488 = arith.select %and3A_483, %exp3A_485, %broadcast_in_dim3A_487 : vector<16xi1>, vector<16xf32>
          %add3A_489 = arith.addf %add3A_465, %select_n3A_488 : vector<16xf32>
          %mul3A_490 = arith.mulf %select_n3A_488, %get3A_478 : vector<16xf32>
          %add3A_491 = arith.addf %add3A_467, %mul3A_490 : vector<16xf32>
          scf.yield %add3A_489, %add3A_491 : vector<16xf32>, vector<16xf32>
        }
        %iota3A_327 = tpu.iota {dimensions = array<i32: 0>} : vector<16xi32>
        %xor3A_328 = arith.constant 8 : i32
        %xor3A_329 = vector.broadcast %xor3A_328 : i32 to vector<16xi32>
        %xor3A_330 = arith.xori %iota3A_327, %xor3A_329 : vector<16xi32>
        %broadcast_in_dim3A_331 = vector.shape_cast %xor3A_330 : vector<16xi32> to vector<16x1xi32>
        %gather3A_332 = vector.shape_cast %broadcast_in_dim3A_331 : vector<16x1xi32> to vector<16xi32>
        %gather3A_333 = tpu.dynamic_gather %while3A_326#0[%gather3A_332] in [0] : vector<16xf32>, vector<16xi32> -> vector<16xf32>
        %add3A_334 = arith.addf %while3A_326#0, %gather3A_333 : vector<16xf32>
        %xor3A_335 = arith.constant 4 : i32
        %xor3A_336 = vector.broadcast %xor3A_335 : i32 to vector<16xi32>
        %xor3A_337 = arith.xori %iota3A_327, %xor3A_336 : vector<16xi32>
        %broadcast_in_dim3A_338 = vector.shape_cast %xor3A_337 : vector<16xi32> to vector<16x1xi32>
        %gather3A_339 = vector.shape_cast %broadcast_in_dim3A_338 : vector<16x1xi32> to vector<16xi32>
        %gather3A_340 = tpu.dynamic_gather %add3A_334[%gather3A_339] in [0] : vector<16xf32>, vector<16xi32> -> vector<16xf32>
        %add3A_341 = arith.addf %add3A_334, %gather3A_340 : vector<16xf32>
        %xor3A_342 = arith.constant 2 : i32
        %xor3A_343 = vector.broadcast %xor3A_342 : i32 to vector<16xi32>
        %xor3A_344 = arith.xori %iota3A_327, %xor3A_343 : vector<16xi32>
        %broadcast_in_dim3A_345 = vector.shape_cast %xor3A_344 : vector<16xi32> to vector<16x1xi32>
        %gather3A_346 = vector.shape_cast %broadcast_in_dim3A_345 : vector<16x1xi32> to vector<16xi32>
        %gather3A_347 = tpu.dynamic_gather %add3A_341[%gather3A_346] in [0] : vector<16xf32>, vector<16xi32> -> vector<16xf32>
        %add3A_348 = arith.addf %add3A_341, %gather3A_347 : vector<16xf32>
        %xor3A_349 = arith.constant 1 : i32
        %xor3A_350 = vector.broadcast %xor3A_349 : i32 to vector<16xi32>
        %xor3A_351 = arith.xori %iota3A_327, %xor3A_350 : vector<16xi32>
        %broadcast_in_dim3A_352 = vector.shape_cast %xor3A_351 : vector<16xi32> to vector<16x1xi32>
        %gather3A_353 = vector.shape_cast %broadcast_in_dim3A_352 : vector<16x1xi32> to vector<16xi32>
        %gather3A_354 = tpu.dynamic_gather %add3A_348[%gather3A_353] in [0] : vector<16xf32>, vector<16xi32> -> vector<16xf32>
        %add3A_355 = arith.addf %add3A_348, %gather3A_354 : vector<16xf32>
        %iota3A_356 = tpu.iota {dimensions = array<i32: 0>} : vector<16xi32>
        %xor3A_357 = arith.constant 8 : i32
        %xor3A_358 = vector.broadcast %xor3A_357 : i32 to vector<16xi32>
        %xor3A_359 = arith.xori %iota3A_356, %xor3A_358 : vector<16xi32>
        %broadcast_in_dim3A_360 = vector.shape_cast %xor3A_359 : vector<16xi32> to vector<16x1xi32>
        %gather3A_361 = vector.shape_cast %broadcast_in_dim3A_360 : vector<16x1xi32> to vector<16xi32>
        %gather3A_362 = tpu.dynamic_gather %while3A_326#1[%gather3A_361] in [0] : vector<16xf32>, vector<16xi32> -> vector<16xf32>
        %add3A_363 = arith.addf %while3A_326#1, %gather3A_362 : vector<16xf32>
        %xor3A_364 = arith.constant 4 : i32
        %xor3A_365 = vector.broadcast %xor3A_364 : i32 to vector<16xi32>
        %xor3A_366 = arith.xori %iota3A_356, %xor3A_365 : vector<16xi32>
        %broadcast_in_dim3A_367 = vector.shape_cast %xor3A_366 : vector<16xi32> to vector<16x1xi32>
        %gather3A_368 = vector.shape_cast %broadcast_in_dim3A_367 : vector<16x1xi32> to vector<16xi32>
        %gather3A_369 = tpu.dynamic_gather %add3A_363[%gather3A_368] in [0] : vector<16xf32>, vector<16xi32> -> vector<16xf32>
        %add3A_370 = arith.addf %add3A_363, %gather3A_369 : vector<16xf32>
        %xor3A_371 = arith.constant 2 : i32
        %xor3A_372 = vector.broadcast %xor3A_371 : i32 to vector<16xi32>
        %xor3A_373 = arith.xori %iota3A_356, %xor3A_372 : vector<16xi32>
        %broadcast_in_dim3A_374 = vector.shape_cast %xor3A_373 : vector<16xi32> to vector<16x1xi32>
        %gather3A_375 = vector.shape_cast %broadcast_in_dim3A_374 : vector<16x1xi32> to vector<16xi32>
        %gather3A_376 = tpu.dynamic_gather %add3A_370[%gather3A_375] in [0] : vector<16xf32>, vector<16xi32> -> vector<16xf32>
        %add3A_377 = arith.addf %add3A_370, %gather3A_376 : vector<16xf32>
        %xor3A_378 = arith.constant 1 : i32
        %xor3A_379 = vector.broadcast %xor3A_378 : i32 to vector<16xi32>
        %xor3A_380 = arith.xori %iota3A_356, %xor3A_379 : vector<16xi32>
        %broadcast_in_dim3A_381 = vector.shape_cast %xor3A_380 : vector<16xi32> to vector<16x1xi32>
        %gather3A_382 = vector.shape_cast %broadcast_in_dim3A_381 : vector<16x1xi32> to vector<16xi32>
        %gather3A_383 = tpu.dynamic_gather %add3A_377[%gather3A_382] in [0] : vector<16xf32>, vector<16xi32> -> vector<16xf32>
        %add3A_384 = arith.addf %add3A_377, %gather3A_383 : vector<16xf32>
        %div3A_385 = arith.divf %add3A_384, %add3A_355 : vector<16xf32>
        %mul3A_386 = arith.constant 173.717789 : f32
        %mul3A_387 = vector.broadcast %mul3A_386 : f32 to vector<16xf32>
        %mul3A_388 = arith.mulf %mul3A_387, %div3A_385 : vector<16xf32>
        %select_n3A_389 = arith.select %eq3A_70, %mul3A_388, %broadcast_in_dim3A_72 : vector<16xi1>, vector<16xf32>
        %swap3A = arith.constant 0 : index
        %swap3A_390 = tpu.vector_load %arg9[%swap3A] {strides = array<i32>} : memref<16xf32, #tpu.memory_space<vmem>>, vector<16xf32>,
        %swap3A_391 = vector.shape_cast %swap3A_390 : vector<16xf32> to vector<16xf32>
        %swap3A_392 = vector.shape_cast %select_n3A_389 : vector<16xf32> to vector<16xf32>
        tpu.vector_store %arg9[%swap3A], %swap3A_392 {strides = array<i32>} : memref<16xf32, #tpu.memory_space<vmem>>, vector<16xf32>,
      } else {
      }
      %le3A = arith.cmpi sle, %convert_element_type3A_102, %convert_element_type3A_135 : i32
      %convert_element_type3A_139 = arith.extui %le3A : i1 to i32
      %cond3A_140 = arith.constant 0 : i32
      %cond3A_141 = arith.cmpi ne, %convert_element_type3A_139, %cond3A_140 : i32
      scf.if %cond3A_141 {
        %broadcast_in_dim3A_148 = arith.constant 0.000000e+00 : f32
        %broadcast_in_dim3A_149 = vector.broadcast %broadcast_in_dim3A_148 : f32 to vector<16xf32>
        %swap3A = arith.constant 0 : index
        %swap3A_150 = tpu.vector_load %arg9[%swap3A] {strides = array<i32>} : memref<16xf32, #tpu.memory_space<vmem>>, vector<16xf32>,
        %swap3A_151 = vector.shape_cast %swap3A_150 : vector<16xf32> to vector<16xf32>
        %swap3A_152 = vector.shape_cast %broadcast_in_dim3A_149 : vector<16xf32> to vector<16xf32>
        tpu.vector_store %arg9[%swap3A], %swap3A_152 {strides = array<i32>} : memref<16xf32, #tpu.memory_space<vmem>>, vector<16xf32>,
      } else {
      }
      %mul3A = arith.constant 16 : i32
      %mul3A_142 = arith.muli %arg1, %mul3A : i32
      "tpu.region"() ({
        %run_scoped3A = tpu.sem_alloc : memref<!tpu.dma_semaphore, #tpu.memory_space<semaphore_mem>>
        %dma_start3A = tpu.memref_slice %arg11[%mul3A_142] : memref<256xf32, #tpu.memory_space<vmem_shared>> -> memref<16xf32, #tpu.memory_space<vmem_shared>>
        %dma_start3A_148 = tpu.memref_slice %arg11[%mul3A_142] : memref<256xf32, #tpu.memory_space<vmem_shared>> -> memref<16xf32, #tpu.memory_space<vmem_shared>>
        tpu.enqueue_dma source(%arg9 : memref<16xf32, #tpu.memory_space<vmem>>) target(%dma_start3A_148 : memref<16xf32, #tpu.memory_space<vmem_shared>>) target_semaphore(%run_scoped3A : memref<!tpu.dma_semaphore, #tpu.memory_space<semaphore_mem>>)
        %dma_wait3A = tpu.memref_slice %arg11[%mul3A_142] : memref<256xf32, #tpu.memory_space<vmem_shared>> -> memref<16xf32, #tpu.memory_space<vmem_shared>>
        %dma_wait3A_149 = tpu.memref_slice %arg11[%mul3A_142] : memref<256xf32, #tpu.memory_space<vmem_shared>> -> memref<16xf32, #tpu.memory_space<vmem_shared>>
        tpu.wait_dma2 semaphore(%run_scoped3A : memref<!tpu.dma_semaphore, #tpu.memory_space<semaphore_mem>>) src(%arg9 : memref<16xf32, #tpu.memory_space<vmem>>) dst(%dma_wait3A_149 : memref<16xf32, #tpu.memory_space<vmem_shared>>)
        tpu.yield
      }) : () -> ()
      %barrier3A = arith.constant 0 : index
      tpu.barrier barrier_id(%barrier3A)
      %eq3A_143 = arith.constant 0 : i32
      %eq3A_144 = arith.cmpi eq, %arg1, %eq3A_143 : i32
      %convert_element_type3A_145 = arith.extui %eq3A_144 : i1 to i32
      %cond3A_146 = arith.constant 0 : i32
      %cond3A_147 = arith.cmpi ne, %convert_element_type3A_145, %cond3A_146 : i32
      scf.if %cond3A_147 {
        "tpu.region"() ({
          %run_scoped3A = tpu.sem_alloc : memref<!tpu.dma_semaphore, #tpu.memory_space<semaphore_mem>>
          tpu.enqueue_dma source(%arg11 : memref<256xf32, #tpu.memory_space<vmem_shared>>) target(%arg10 : memref<256xf32, #tpu.memory_space<vmem>>) target_semaphore(%run_scoped3A : memref<!tpu.dma_semaphore, #tpu.memory_space<semaphore_mem>>)
          tpu.wait_dma2 semaphore(%run_scoped3A : memref<!tpu.dma_semaphore, #tpu.memory_space<semaphore_mem>>) src(%arg11 : memref<256xf32, #tpu.memory_space<vmem_shared>>) dst(%arg10 : memref<256xf32, #tpu.memory_space<vmem>>)
          tpu.yield
        }) : () -> ()
        %get3A_148 = arith.constant 0 : index
        %get3A_149 = tpu.vector_load %arg10[%get3A_148] {strides = array<i32>} : memref<256xf32, #tpu.memory_space<vmem>>, vector<16xf32>,
        %get3A_150 = vector.shape_cast %get3A_149 : vector<16xf32> to vector<16xf32>
        %get3A_151 = arith.constant 16 : index
        %get3A_152 = tpu.vector_load %arg10[%get3A_151] {strides = array<i32>} : memref<256xf32, #tpu.memory_space<vmem>>, vector<16xf32>,
        %get3A_153 = vector.shape_cast %get3A_152 : vector<16xf32> to vector<16xf32>
        %add3A_154 = arith.addf %get3A_150, %get3A_153 : vector<16xf32>
        %get3A_155 = arith.constant 32 : index
        %get3A_156 = tpu.vector_load %arg10[%get3A_155] {strides = array<i32>} : memref<256xf32, #tpu.memory_space<vmem>>, vector<16xf32>,
        %get3A_157 = vector.shape_cast %get3A_156 : vector<16xf32> to vector<16xf32>
        %add3A_158 = arith.addf %add3A_154, %get3A_157 : vector<16xf32>
        %get3A_159 = arith.constant 48 : index
        %get3A_160 = tpu.vector_load %arg10[%get3A_159] {strides = array<i32>} : memref<256xf32, #tpu.memory_space<vmem>>, vector<16xf32>,
        %get3A_161 = vector.shape_cast %get3A_160 : vector<16xf32> to vector<16xf32>
        %add3A_162 = arith.addf %add3A_158, %get3A_161 : vector<16xf32>
        %get3A_163 = arith.constant 64 : index
        %get3A_164 = tpu.vector_load %arg10[%get3A_163] {strides = array<i32>} : memref<256xf32, #tpu.memory_space<vmem>>, vector<16xf32>,
        %get3A_165 = vector.shape_cast %get3A_164 : vector<16xf32> to vector<16xf32>
        %add3A_166 = arith.addf %add3A_162, %get3A_165 : vector<16xf32>
        %get3A_167 = arith.constant 80 : index
        %get3A_168 = tpu.vector_load %arg10[%get3A_167] {strides = array<i32>} : memref<256xf32, #tpu.memory_space<vmem>>, vector<16xf32>,
        %get3A_169 = vector.shape_cast %get3A_168 : vector<16xf32> to vector<16xf32>
        %add3A_170 = arith.addf %add3A_166, %get3A_169 : vector<16xf32>
        %get3A_171 = arith.constant 96 : index
        %get3A_172 = tpu.vector_load %arg10[%get3A_171] {strides = array<i32>} : memref<256xf32, #tpu.memory_space<vmem>>, vector<16xf32>,
        %get3A_173 = vector.shape_cast %get3A_172 : vector<16xf32> to vector<16xf32>
        %add3A_174 = arith.addf %add3A_170, %get3A_173 : vector<16xf32>
        %get3A_175 = arith.constant 112 : index
        %get3A_176 = tpu.vector_load %arg10[%get3A_175] {strides = array<i32>} : memref<256xf32, #tpu.memory_space<vmem>>, vector<16xf32>,
        %get3A_177 = vector.shape_cast %get3A_176 : vector<16xf32> to vector<16xf32>
        %add3A_178 = arith.addf %add3A_174, %get3A_177 : vector<16xf32>
        %get3A_179 = arith.constant 128 : index
        %get3A_180 = tpu.vector_load %arg10[%get3A_179] {strides = array<i32>} : memref<256xf32, #tpu.memory_space<vmem>>, vector<16xf32>,
        %get3A_181 = vector.shape_cast %get3A_180 : vector<16xf32> to vector<16xf32>
        %add3A_182 = arith.addf %add3A_178, %get3A_181 : vector<16xf32>
        %get3A_183 = arith.constant 144 : index
        %get3A_184 = tpu.vector_load %arg10[%get3A_183] {strides = array<i32>} : memref<256xf32, #tpu.memory_space<vmem>>, vector<16xf32>,
        %get3A_185 = vector.shape_cast %get3A_184 : vector<16xf32> to vector<16xf32>
        %add3A_186 = arith.addf %add3A_182, %get3A_185 : vector<16xf32>
        %get3A_187 = arith.constant 160 : index
        %get3A_188 = tpu.vector_load %arg10[%get3A_187] {strides = array<i32>} : memref<256xf32, #tpu.memory_space<vmem>>, vector<16xf32>,
        %get3A_189 = vector.shape_cast %get3A_188 : vector<16xf32> to vector<16xf32>
        %add3A_190 = arith.addf %add3A_186, %get3A_189 : vector<16xf32>
        %get3A_191 = arith.constant 176 : index
        %get3A_192 = tpu.vector_load %arg10[%get3A_191] {strides = array<i32>} : memref<256xf32, #tpu.memory_space<vmem>>, vector<16xf32>,
        %get3A_193 = vector.shape_cast %get3A_192 : vector<16xf32> to vector<16xf32>
        %add3A_194 = arith.addf %add3A_190, %get3A_193 : vector<16xf32>
        %get3A_195 = arith.constant 192 : index
        %get3A_196 = tpu.vector_load %arg10[%get3A_195] {strides = array<i32>} : memref<256xf32, #tpu.memory_space<vmem>>, vector<16xf32>,
        %get3A_197 = vector.shape_cast %get3A_196 : vector<16xf32> to vector<16xf32>
        %add3A_198 = arith.addf %add3A_194, %get3A_197 : vector<16xf32>
        %get3A_199 = arith.constant 208 : index
        %get3A_200 = tpu.vector_load %arg10[%get3A_199] {strides = array<i32>} : memref<256xf32, #tpu.memory_space<vmem>>, vector<16xf32>,
        %get3A_201 = vector.shape_cast %get3A_200 : vector<16xf32> to vector<16xf32>
        %add3A_202 = arith.addf %add3A_198, %get3A_201 : vector<16xf32>
        %get3A_203 = arith.constant 224 : index
        %get3A_204 = tpu.vector_load %arg10[%get3A_203] {strides = array<i32>} : memref<256xf32, #tpu.memory_space<vmem>>, vector<16xf32>,
        %get3A_205 = vector.shape_cast %get3A_204 : vector<16xf32> to vector<16xf32>
        %add3A_206 = arith.addf %add3A_202, %get3A_205 : vector<16xf32>
        %get3A_207 = arith.constant 240 : index
        %get3A_208 = tpu.vector_load %arg10[%get3A_207] {strides = array<i32>} : memref<256xf32, #tpu.memory_space<vmem>>, vector<16xf32>,
        %get3A_209 = vector.shape_cast %get3A_208 : vector<16xf32> to vector<16xf32>
        %add3A_210 = arith.addf %add3A_206, %get3A_209 : vector<16xf32>
        %swap3A = arith.constant 0 : index
        %swap3A_211 = tpu.vector_load %arg9[%swap3A] {strides = array<i32>} : memref<16xf32, #tpu.memory_space<vmem>>, vector<16xf32>,
        %swap3A_212 = vector.shape_cast %swap3A_211 : vector<16xf32> to vector<16xf32>
        %swap3A_213 = vector.shape_cast %add3A_210 : vector<16xf32> to vector<16xf32>
        tpu.vector_store %arg9[%swap3A], %swap3A_213 {strides = array<i32>} : memref<16xf32, #tpu.memory_space<vmem>>, vector<16xf32>,
        "tpu.region"() ({
          %run_scoped3A = tpu.sem_alloc : memref<!tpu.dma_semaphore, #tpu.memory_space<semaphore_mem>>
          tpu.enqueue_dma source(%arg9 : memref<16xf32, #tpu.memory_space<vmem>>) target(%arg5 : memref<16xf32, #tpu.memory_space<hbm>>) target_semaphore(%run_scoped3A : memref<!tpu.dma_semaphore, #tpu.memory_space<semaphore_mem>>)
          tpu.wait_dma2 semaphore(%run_scoped3A : memref<!tpu.dma_semaphore, #tpu.memory_space<semaphore_mem>>) src(%arg9 : memref<16xf32, #tpu.memory_space<vmem>>) dst(%arg5 : memref<16xf32, #tpu.memory_space<hbm>>)
          tpu.yield
        }) : () -> ()
      } else {
      }
    } else {
    }
    return
  }
}

module attributes {stable_mosaic.version = 14 : i64} {
  func.func @_mlp_body(%arg0: i32, %arg1: memref<64x8192xf32, #tpu.memory_space<vmem>>, %arg2: memref<32x64xf32, #tpu.memory_space<vmem>>, %arg3: memref<32xf32, #tpu.memory_space<vmem>>, %arg4: memref<1x32xf32, #tpu.memory_space<vmem>>, %arg5: memref<1x32xf32, #tpu.memory_space<vmem>>, %arg6: memref<1xf32, #tpu.memory_space<vmem>>, %arg7: memref<8192xf32, #tpu.memory_space<vmem>>, %arg8: memref<8192xf32, #tpu.memory_space<vmem>>) attributes {dimension_semantics = [#tpu.dimension_semantics<arbitrary>], iteration_bounds = array<i64: 4>, scalar_prefetch = 0 : i64, scratch_operands = 0 : i64, tpu.core_type = #tpu.core_type<tc>, window_params = [{transform_indices = @transform_0, window_bounds = array<i64: 64, 8192>}, {pipeline_mode = #tpu.pipeline_mode<synchronous>, transform_indices = @transform_1, window_bounds = array<i64: 32, 64>}, {pipeline_mode = #tpu.pipeline_mode<synchronous>, transform_indices = @transform_2, window_bounds = array<i64: 32>}, {pipeline_mode = #tpu.pipeline_mode<synchronous>, transform_indices = @transform_3, window_bounds = array<i64: 1, 32>}, {pipeline_mode = #tpu.pipeline_mode<synchronous>, transform_indices = @transform_4, window_bounds = array<i64: 1, 32>}, {pipeline_mode = #tpu.pipeline_mode<synchronous>, transform_indices = @transform_5, window_bounds = array<i64: 1>}, {transform_indices = @transform_6, window_bounds = array<i64: 8192>}, {transform_indices = @transform_7, window_bounds = array<i64: 8192>}]} {
    %get3A = arith.constant 0 : index
    %get3A_0 = arith.constant 0 : index
    %get3A_1 = vector.load %arg2[%get3A, %get3A_0] : memref<32x64xf32, #tpu.memory_space<vmem>>, vector<32x64xf32>
    %get3A_2 = arith.constant 0 : index
    %get3A_3 = arith.constant 0 : index
    %get3A_4 = vector.load %arg1[%get3A_2, %get3A_3] : memref<64x8192xf32, #tpu.memory_space<vmem>>, vector<64x8192xf32>
    %dot_general3A = arith.constant dense<0.000000e+00> : vector<32x8192xf32>
    %dot_general3A_5 = tpu.matmul %get3A_1, %get3A_4, %dot_general3A {dimension_numbers = #tpu.dot_dimension_numbers<[1], [0], [0], [1], [0, 0, 1, 1], [], []>, transpose_lhs_hint = false} : vector<32x64xf32>, vector<64x8192xf32>, vector<32x8192xf32> -> vector<32x8192xf32>
    %get3A_6 = arith.constant 0 : index
    %get3A_7 = vector.load %arg3[%get3A_6] : memref<32xf32, #tpu.memory_space<vmem>>, vector<32xf32>
    %broadcast_in_dim3A = vector.shape_cast %get3A_7 : vector<32xf32> to vector<32x1xf32>
    %add3A = vector.broadcast %broadcast_in_dim3A : vector<32x1xf32> to vector<32x8192xf32>
    %add3A_8 = arith.addf %dot_general3A_5, %add3A : vector<32x8192xf32>
    %max3A = arith.constant 0.000000e+00 : f32
    %max3A_9 = vector.broadcast %max3A : f32 to vector<32x8192xf32>
    %max3A_10 = arith.maximumf %add3A_8, %max3A_9 : vector<32x8192xf32>
    %get3A_11 = arith.constant 0 : index
    %get3A_12 = arith.constant 0 : index
    %get3A_13 = vector.load %arg4[%get3A_11, %get3A_12] : memref<1x32xf32, #tpu.memory_space<vmem>>, vector<1x32xf32>
    %get3A_14 = arith.constant 0 : index
    %get3A_15 = arith.constant 0 : index
    %get3A_16 = vector.load %arg5[%get3A_14, %get3A_15] : memref<1x32xf32, #tpu.memory_space<vmem>>, vector<1x32xf32>
    %concatenate3A = tpu.concatenate %get3A_13, %get3A_16 in 0 : vector<1x32xf32>, vector<1x32xf32> -> vector<2x32xf32>
    %dot_general3A_17 = arith.constant dense<0.000000e+00> : vector<2x8192xf32>
    %dot_general3A_18 = tpu.matmul %concatenate3A, %max3A_10, %dot_general3A_17 {dimension_numbers = #tpu.dot_dimension_numbers<[1], [0], [0], [1], [0, 0, 1, 1], [], []>, transpose_lhs_hint = false} : vector<2x32xf32>, vector<32x8192xf32>, vector<2x8192xf32> -> vector<2x8192xf32>
    %slice3A = vector.extract_strided_slice %dot_general3A_18 {offsets = [0, 0], sizes = [1, 8192], strides = [1, 1]} : vector<2x8192xf32> to vector<1x8192xf32>
    %squeeze3A = vector.shape_cast %slice3A : vector<1x8192xf32> to vector<8192xf32>
    %get3A_19 = arith.constant 0 : index
    %get3A_20 = vector.load %arg6[%get3A_19] : memref<1xf32, #tpu.memory_space<vmem>>, vector<1xf32>
    %get3A_21 = vector.extract %get3A_20[0] : f32 from vector<1xf32>
    %add3A_22 = vector.broadcast %get3A_21 : f32 to vector<8192xf32>
    %add3A_23 = arith.addf %squeeze3A, %add3A_22 : vector<8192xf32>
    %swap3A = arith.constant 0 : index
    %swap3A_24 = vector.load %arg7[%swap3A] : memref<8192xf32, #tpu.memory_space<vmem>>, vector<8192xf32>
    tpu.vector_store %arg7[%swap3A], %add3A_23 {strides = array<i32>} : memref<8192xf32, #tpu.memory_space<vmem>>, vector<8192xf32>,
    %slice3A_25 = vector.extract_strided_slice %dot_general3A_18 {offsets = [1, 0], sizes = [1, 8192], strides = [1, 1]} : vector<2x8192xf32> to vector<1x8192xf32>
    %squeeze3A_26 = vector.shape_cast %slice3A_25 : vector<1x8192xf32> to vector<8192xf32>
    %swap3A_27 = arith.constant 0 : index
    %swap3A_28 = vector.load %arg8[%swap3A_27] : memref<8192xf32, #tpu.memory_space<vmem>>, vector<8192xf32>
    tpu.vector_store %arg8[%swap3A_27], %squeeze3A_26 {strides = array<i32>} : memref<8192xf32, #tpu.memory_space<vmem>>, vector<8192xf32>,
    return
  }
  func.func @transform_0(%arg0: i32) -> (i32, i32) {
    %c0_i32 = arith.constant 0 : i32
    %c0_i32_0 = arith.constant 0 : i32
    return %c0_i32, %arg0 : i32, i32
  }
  func.func @transform_1(%arg0: i32) -> (i32, i32) {
    %c0_i32 = arith.constant 0 : i32
    %c0_i32_0 = arith.constant 0 : i32
    %c0_i32_1 = arith.constant 0 : i32
    return %c0_i32, %c0_i32_0 : i32, i32
  }
  func.func @transform_2(%arg0: i32) -> i32 {
    %c0_i32 = arith.constant 0 : i32
    %c0_i32_0 = arith.constant 0 : i32
    return %c0_i32 : i32
  }
  func.func @transform_3(%arg0: i32) -> (i32, i32) {
    %c0_i32 = arith.constant 0 : i32
    %c0_i32_0 = arith.constant 0 : i32
    %c0_i32_1 = arith.constant 0 : i32
    return %c0_i32, %c0_i32_0 : i32, i32
  }
  func.func @transform_4(%arg0: i32) -> (i32, i32) {
    %c0_i32 = arith.constant 0 : i32
    %c0_i32_0 = arith.constant 0 : i32
    %c0_i32_1 = arith.constant 0 : i32
    return %c0_i32, %c0_i32_0 : i32, i32
  }
  func.func @transform_5(%arg0: i32) -> i32 {
    %c0_i32 = arith.constant 0 : i32
    %c0_i32_0 = arith.constant 0 : i32
    return %c0_i32 : i32
  }
  func.func @transform_6(%arg0: i32) -> i32 {
    %c0_i32 = arith.constant 0 : i32
    return %arg0 : i32
  }
  func.func @transform_7(%arg0: i32) -> i32 {
    %c0_i32 = arith.constant 0 : i32
    return %arg0 : i32
  }
}

</mosaic_0001>

<sc_bundles>
// kernel: kernel.4.cloned.1.call-start
scs
__scs_entry_jumppad:
0x0: {  	(pc) =	sbr.rel $0x88, $3  }
0x1: {  	(tag) =	ssettag $0x0;
	lr =	simm.s32 $0x1  }
0x2: {  	[smem:$0x3F9A] =	sst lr;
	_ =	strace $0xD0000000  }
0x3: {  	_ = 	snop  }
0x4: {  	_ = 	snop  }
0x5: {  	_ = 	snop  }
0x6: {  	_ = 	snop  }
0x7: {  	_ = 	snop  }
__scs_overlays_trampoline_lowered:
0x8: {  	[smem:$0x3FA9] =	sst s0  }
0x9: {  	[smem:$0x3FAA] =	sst s1  }
0xa: {  	[smem:$0x3FAB] =	sst s2  }
0xb: {  	[smem:$0x3FAC] =	sst s3  }
0xc: {  	[smem:$0x3FAD] =	sst s4  }
0xd: {  	[smem:$0x3FAE] =	sst s5  }
0xe: {  	[smem:$0x3FAF] =	sst s6  }
0xf: {  	[smem:$0x3FB0] =	sst s7  }
0x10: {  	[smem:$0x3FB1] =	sst s8  }
0x11: {  	[smem:$0x3FB2] =	sst s9;
	s0 =	simm.s32 @!p0 $0x0  }
0x12: {  	s1 =	sld [smem:$0x3F98];
	s0 =	simm.s32 @p0 $0x1  }
0x13: {  	[smem:$0x3FB3] =	sst s0;
	s0 =	simm.s32 @!p1 $0x0  }
0x14: {  	s2 =	sld [smem:$0x3F97];
	s0 =	simm.s32 @p1 $0x1  }
0x15: {  	[smem:$0x3FB4] =	sst s0;
	s0 =	simm.s32 @!p2 $0x0  }
0x16: {  	s3 =	sld [smem:$0x3FDB];
	s0 =	simm.s32 @p2 $0x1  }
0x17: {  	s4 =	simm.s32 $0x1BF5;
	[smem:$0x3FB6] =	sst s0  }
0x18: {  	s0 =	sld [smem:$0x3F99];
	_ =	swait.ge [sflag:s4], $0x0  }
0x19: {  	s7 =	sld [smem:$0x3F9A]  }
0x1a: {  	s8 =	sadd.s32 $0xFFFFE003, lr  }
0x1b: {  	s9 =	sadd.s32 $0xFFFFFEF7, lr;
	s5 =	simm.s32 $0xFFFFFFFF;
	p2 =	slt.u32 s8, $0xFFFFF086  }
0x1c: {  	p1 =	slt.u32 s9, $0xF7A;
	s5 =	simm.s32 @!p2 $0x0  }
0x1d: {  	s5 =	simm.s32 @p1 $0x1;
	p0 =	seq.s32 s7, s2  }
0x1e: {  	s7 =	smul.u32 @!p0 $0xF7A, s2;
	p2 =	seq.s32 @!p0 s5, $0x0  }
0x1f: {  	s9 =	smul.u32 $0xF7A, s1;
	s8 =	simm.s32 @!p0 $0x1BF5;
	p2 =	por !p2, p0  }
0x20: {  	[sflag:s8] =	ssyncset.s32 @!p0 $0xFFFFF086;
	s6 =	sadd.s32 @!p0 s3, s7;
	s7 =	simm.s32 @!p0 $0x108  }
0x21: {  	s3 =	sadd.s32 s3, s9;
	s6 =	sadd.s32 @!p0 $0x88, s6;
	s7 =	simm.s32 @p2 $0x1082  }
0x22: {  	[simem:s7], [sflag:s8] =	dma.local @!p0 [hbm:s6], $0xF7A  }
0x23: {  	s9 =	sor.u32 $0xD0000000, s2;
	s6 =	simm.s32 $0x108;
	_ =	swait.ge @!p0 [sflag:s8], $0x0  }
0x24: {  	s3 =	sadd.s32 $0x88, s3;
	s6 =	simm.s32 @!p1 $0x1082;
	[sflag:s4] =	ssyncset.s32 $0xFFFFF086  }
0x25: {  	[simem:s6], [sflag:s4] =	dma.local [hbm:s3], $0xF7A  }
0x26: {  	[smem:$0x3F9A] =	sst s1;
	(tag) =	ssettag s2;
	_ =	strace s9  }
0x27: {  	s1 =	sld [smem:$0x3FAA]  }
0x28: {  	s2 =	sld [smem:$0x3FAB]  }
0x29: {  	s4 =	sld [smem:$0x3FAD]  }
0x2a: {  	p0 =	seq.s32 s5, $0x0;
	s5 =	sld [smem:$0x3FAE]  }
0x2b: {  	s6 =	sld [smem:$0x3FAF]  }
0x2c: {  	s7 =	sld [smem:$0x3FB0]  }
0x2d: {  	s3 =	simm.s32 $0x108;
	s8 =	sld [smem:$0x3FB1]  }
0x2e: {  	s3 =	simm.s32 @!p0 $0x1082;
	s9 =	sld [smem:$0x3FB2]  }
0x2f: {  	lr =	sadd.s32 s0, s3;
	s0 =	sld [smem:$0x3FA9]  }
0x30: {  	s3 =	sld [smem:$0x3FAC]  }
0x31: {  	[smem:$0x3FB5] =	sst s10  }
0x32: {  	s10 =	sld [smem:$0x3FB3];
	_ =	sdelay $0x3  }
0x33: {  	p0 =	seq.s32 s10, $0x1;
	s10 =	sld [smem:$0x3FB5];
	_ =	sdelay $0x3  }
0x34: {  	[smem:$0x3FB5] =	sst s10  }
0x35: {  	s10 =	sld [smem:$0x3FB4];
	_ =	sdelay $0x3  }
0x36: {  	p1 =	seq.s32 s10, $0x1;
	s10 =	sld [smem:$0x3FB5];
	_ =	sdelay $0x3  }
0x37: {  	[smem:$0x3FB5] =	sst s10  }
0x38: {  	s10 =	sld [smem:$0x3FB6]  }
0x39: {  	_ = 	snop;
	(pc) =	sbr.ind lr, $3  }
0x3a: {  	_ = 	snop  }
0x3b: {  	_ = 	snop  }
0x3c: {  	p2 =	seq.s32 s10, $0x1;
	s10 =	sld [smem:$0x3FB5]  }
0x3d: {  	_ =	shalt  }
0x3e: {  	_ =	shalt  }
0x3f: {  	_ =	shalt  }
0x40: {  	_ =	shalt  }
0x41: {  	_ =	shalt  }
0x42: {  	_ =	shalt  }
0x43: {  	_ =	shalt  }
0x44: {  	_ =	shalt  }
0x45: {  	_ =	shalt  }
0x46: {  	_ =	shalt  }
0x47: {  	_ =	shalt  }
0x48: {  	_ =	shalt  }
0x49: {  	_ =	shalt  }
0x4a: {  	_ =	shalt  }
0x4b: {  	_ =	shalt  }
0x4c: {  	_ =	shalt  }
0x4d: {  	_ =	shalt  }
0x4e: {  	_ =	shalt  }
0x4f: {  	_ =	shalt  }
0x50: {  	_ =	shalt  }
0x51: {  	_ =	shalt  }
0x52: {  	_ =	shalt  }
0x53: {  	_ =	shalt  }
0x54: {  	_ =	shalt  }
0x55: {  	_ =	shalt  }
0x56: {  	_ =	shalt  }
0x57: {  	_ =	shalt  }
0x58: {  	_ =	shalt  }
0x59: {  	_ =	shalt  }
0x5a: {  	_ =	shalt  }
0x5b: {  	_ =	shalt  }
0x5c: {  	_ =	shalt  }
0x5d: {  	_ =	shalt  }
0x5e: {  	_ =	shalt  }
0x5f: {  	_ =	shalt  }
0x60: {  	_ =	shalt  }
0x61: {  	_ =	shalt  }
0x62: {  	_ =	shalt  }
0x63: {  	_ =	shalt  }
0x64: {  	_ =	shalt  }
0x65: {  	_ =	shalt  }
0x66: {  	_ =	shalt  }
0x67: {  	_ =	shalt  }
0x68: {  	_ =	shalt  }
0x69: {  	_ =	shalt  }
0x6a: {  	_ =	shalt  }
0x6b: {  	_ =	shalt  }
0x6c: {  	_ =	shalt  }
0x6d: {  	_ =	shalt  }
0x6e: {  	_ =	shalt  }
0x6f: {  	_ =	shalt  }
0x70: {  	_ =	shalt  }
0x71: {  	_ =	shalt  }
0x72: {  	_ =	shalt  }
0x73: {  	_ =	shalt  }
0x74: {  	_ =	shalt  }
0x75: {  	_ =	shalt  }
0x76: {  	_ =	shalt  }
0x77: {  	_ =	shalt  }
0x78: {  	_ =	shalt  }
0x79: {  	_ =	shalt  }
0x7a: {  	_ =	shalt  }
0x7b: {  	_ =	shalt  }
0x7c: {  	_ =	shalt  }
0x7d: {  	_ =	shalt  }
0x7e: {  	_ =	shalt  }
0x7f: {  	_ =	shalt  }
0x80: {  	_ =	shalt  }
0x81: {  	_ =	shalt  }
0x82: {  	_ =	shalt  }
0x83: {  	_ =	shalt  }
0x84: {  	_ =	shalt  }
0x85: {  	_ =	shalt  }
0x86: {  	_ =	shalt  }
0x87: {  	_ =	shalt  }
.Lfunc_end0:
.L_simem_size_0:
called_computation_lowered:
.L_overlay_start_0:
0x88: {  	s2 =	sld [smem:$0x3FD9]  }
0x89: {  	s3 =	sld [smem:$0x3FFE];
	_ =	sdelay $0x1  }
0x8a: {  	s1 =	srdreg.scid  }
0x8b: {  	s0 =	sand.u32 $0x1, s1  }
0x8c: {  	s17 =	sshll.u32 s0, $0xA;
	s2 =	sadd.s32 s3, s2  }
0x8d: {  	s2 =	sadd.s32 s2, s17  }
0x8e: {  	[smem:$0x3FC1] =	sst s2  }
0x8f: {  	_ = 	snop  }
0x90: {  	s2 =	sld [smem:$0x3FC8]  }
0x91: {  	s18 =	sld [smem:$0x3FD0];
	(tm) =	ssettm $0x1  }
0x92: {  	s4 =	sld [smem:$0x3FFB];
	_ =	sdelay $0x3  }
0x93: {  	_ =	strace s4  }
0x94: {  	s4 =	sld [smem:$0x3FFC];
	_ =	sdelay $0x3  }
0x95: {  	_ =	strace s4  }
0x96: {  	s4 =	sld [smem:$0x3FFD];
	_ =	sdelay $0x3  }
0x97: {  	_ =	strace s4  }
0x98: {  	_ =	strace $0x8FFFFFFF  }
0x99: {  	s19 =	sld [smem:$0x3FDB];
	_ =	sdelay $0x1  }
0x9a: {  	s5 =	simm.s32 $_scs_section_size  }
0x9b: {  	s6 =	simm.s32 $_size__tile_overlayer_lowered;
	s7 =	simm.s32 $_tile_overlayer_lowered  }
0x9c: {  	s22 =	simm.s32 $0x1BFF;
	s21 =	sshll.u32 s7, $0x1;
	s4 =	sadd.s32 s5, s19  }
0x9d: {  	s8 =	simm.s32 $0x0;
	s20 =	sshll.u32 s6, $0x1;
	s6 =	sadd.s32 s21, s4  }
0x9e: {  	[timem:s8], [sflag:s22] =	dma.local [hbm:s6], s20  }
0x9f: {  	_ =	swait.ge [sflag:s22], s20  }
0xa0: {  	s5 =	ssub.s32 $0x0, s20;
	[sflag:s22] =	ssyncset.done $0x0  }
0xa1: {  	[sflag:s22] =	ssyncadd.s32 s5;
	_ =	sdelay $0x1  }
0xa2: {  	s23 =	simm.s32 $0x1B8B  }
0xa3: {  	_ =	swait.ge [sflag:s23], $0x1  }
0xa4: {  	[sflag:s23] =	ssyncset.done $0x0  }
0xa5: {  	s25 =	simm.s32 $0x1B8E;
	s24 =	sld [smem:$0x3FFE];
	[sflag:s23] =	ssyncadd.s32 $0xFFFFFFFF  }
0xa6: {  	s26 =	simm.s32 $execute0_lowered;
	[smem:$0x3FD2] =	sst s25  }
0xa7: {  	s6 =	sshll.u32 s26, $0x1;
	_ =	strace $0x80000046;
	[dreg:$0x1] =	wrdreg $0xFFFFFFFF  }
0xa8: {  	s28 =	simm.s32 $_size_execute0_lowered;
	s4 =	sadd.s32 s4, s6;
	[dreg:$0x0] =	wrdreg $0x0  }
0xa9: {  	s6 =	sshll.u32 s28, $0x1;
	[dreg:$0x2] =	wrdreg s4  }
0xaa: {  	[dreg:$0x3] =	wrdreg s6  }
0xab: {  	[dreg:$0x4] =	wrdreg $0xC0  }
0xac: {  	_ =	task [dreg:s8], $0x5FFFF  }
0xad: {  	[dreg:$0x1] =	wrdreg $0xFFFFFFFF  }
0xae: {  	[dreg:$0x0] =	wrdreg $0x60  }
0xaf: {  	[dreg:$0x2] =	wrdreg s24  }
0xb0: {  	[dreg:$0x3] =	wrdreg s2  }
0xb1: {  	[dreg:$0x4] =	wrdreg s18  }
0xb2: {  	[dreg:$0x5] =	wrdreg $0x23000  }
0xb3: {  	[dreg:$0x6] =	wrdreg $0x9  }
0xb4: {  	_ =	task.clear_ibuf [dreg:s8], $0x7FFFF;
	_ =	strace $0x90000046  }
0xb5: {  	s29 =	simm.s32 $0x9;
	_ =	strace $0x80000048  }
0xb6: {  	_ =	swait.ge [sflag:s29], $0x1  }
0xb7: {  	[sflag:s29] =	ssyncadd.s32 $0xFFFFFFFF  }
0xb8: {  	_ =	strace $0x90000048  }
0xb9: {  	_ =	sfence  }
0xba: {  	s30 =	sld [smem:$0x0];
	_ =	sdelay $0x2  }
0xbb: {  	s31 =	sshll.u32 s1, $0xD;
	s1 =	sshrl.u32 s1, $0x2  }
0xbc: {  	s3 =	sand.u32 $0x4000, s31;
	s1 =	sadd.s32 s1, s30  }
0xbd: {  	s0 =	sor.u32 s3, s0;
	s1 =	sshll.u32 s1, $0x11  }
0xbe: {  	s0 =	sor.u32 s1, s0  }
0xbf: {  	s0 =	sadd.s32 $0x8F2B, s0  }
0xc0: {  	[sflag:s0] =	ssyncadd.remote.s32 $0x1  }
0xc1: {  	_ =	sfence.sel $0xFFFF  }
0xc2: {  	[dreg:$0x0] =	wrdreg $0xFFFFFFFF;
	(pc) =	sbr.abs _section_cstart, $3  }
0xc3: {  	[dreg:$0x1] =	wrdreg $0xFFFFFFFF  }
0xc4: {  	_ =	task.clear_ibuf [dreg:s8], $0x2FFFF;
	_ =	strace $0x9FFFFFFF  }
0xc5: {  	(tm) =	ssettm $0x7FFFFFFF  }
tec
execute0_lowered:
.L_overlay_start_1:
0x0: {  	(tag) =	ssettag $0x1  }
0x1: {  	s2 =	srdreg.scid  }
0x2: {  	s2 =	sand.u32 $0x1, s2  }
0x3: {  	s6 =	rddreg [dreg:$0x0];
	p0 =	seq.s32 s2, $0x1  }
.Ltmp0:
0x4: {  	s4 =	rddreg [dreg:$0x1];
	(pc) =	sbr.rel @p0 .LBB2_30-.Ltmp0, $4  }
0x5: {  	s1 =	rddreg [dreg:$0x2]  }
0x6: {  	s3 =	rddreg [dreg:$0x3];
	s5 =	simm.s32 $0x0  }
0x7: {  	[smem:$0x7FF] =	sst s5  }
0x8: {  	s0 =	rddreg [dreg:$0x4];
	_ =	strace $0x80000047;
	s2 =	stileid.u32  }
0x9: {  	[tilespmem:s5], [sflag:$0x3] =	stream.linear.gather [hbm4b:s4+s5], $0x80, $0x38;
	[tilespmem:$0x2310] =	vst v63  }
0xa: {  	s4 =	simm.s32 $0x3  }
0xb: {  	_ =	swait.ge [sflag:s4], $0x80  }
0xc: {  	v0 =	vimm.s32 $0xEDCBA987;
	[sflag:s4] =	ssyncset.done $0x0  }
0xd: {  	v2 =	vimm.s32 $0x65432100;
	v0 =	vunpack.c.l.s4.s8 v0;
	[sflag:s4] =	ssyncadd.s32 $0xFFFFFF80  }
0xe: {  	v2 =	vunpack.c.l.s4.s8 v2;
	v1 =	vld [tilespmem:$0x0]  }
0xf: {  	v0 =	vunpack.c.0.s8.s32 v0  }
0x10: {  	v2 =	vunpack.c.0.s8.s32 v2  }
0x11: {  	v0 =	vand.u32 $0xF, v0  }
0x12: {  	v0 =	vcombine.low v2, v0;
	v2 =	vimm.s32 $0xDCBA9876  }
0x13: {  	v3 =	vimm.s32 $0x54321000;
	v2 =	vunpack.c.l.s4.s8 v2;
	v1 =	vcvt.s32.f32 v1  }
0x14: {  	v3 =	vunpack.c.l.s4.s8 v3  }
0x15: {  	v4 =	vlaneseq.u32;
	v2 =	vunpack.c.0.s8.s32 v2;
	v0 =	vperm.xlane v1, v0  }
0x16: {  	v5 =	vimm.s32 $0xBA987654;
	vm0 =	veq.s32 v4, $0x0;
	v3 =	vunpack.c.0.s8.s32 v3  }
0x17: {  	v5 =	vunpack.c.l.s4.s8 v5;
	v2 =	vand.u32 $0xF, v2;
	v0 =	vsel vm0, $0x0, v0  }
0x18: {  	v2 =	vcombine.low v3, v2;
	v3 =	vimm.s32 $0x32100000;
	v0 =	vadd.f32 v1, v0  }
0x19: {  	v3 =	vunpack.c.l.s4.s8 v3  }
0x1a: {  	v5 =	vunpack.c.0.s8.s32 v5;
	v2 =	vperm.xlane v0, v2  }
0x1b: {  	vm11 =	vmmov $0x3;
	v6 =	vimm.s32 $0xE40000;
	v3 =	vunpack.c.0.s8.s32 v3  }
0x1c: {  	v6 =	vunpack.c.l.s2.s4 v6;
	v5 =	vand.u32 $0xF, v5;
	v2 =	vsel vm11, $0x0, v2  }
0x1d: {  	v0 =	vadd.f32 v2, v0;
	v2 =	vcombine.low v3, v5  }
0x1e: {  	v3 =	vunpack.c.l.s4.s8 v6  }
0x1f: {  	v2 =	vperm.xlane v0, v2  }
0x20: {  	vm12 =	vmmov $0xf;
	v47 =	vimm.s32 $0x7060504;
	v3 =	vunpack.c.0.s8.s32 v3  }
0x21: {  	v5 =	vunpack.c.0.s8.s32 v47;
	v2 =	vsel vm12, $0x0, v2  }
0x22: {  	vm13 =	vcmask $0x3F30;
	v2 =	vadd.f32 v2, v0;
	v0 =	vand.u32 $0x3, v3  }
0x23: {  	vm14 =	vmmov $0xff;
	v48 =	vimm.s32 $0x76543210;
	v0 =	vsel vm13, v5, v0  }
0x24: {  	v51 =	vimm.s32 $0xBA98FEDC;
	v3 =	vperm.xlane v2, v0;
	v0 =	vimm.s32 $0xFEDCBA98  }
0x25: {  	v52 =	vimm.s32 $0x32107654;
	v56 =	vimm.s32 $0xDCFE98BA;
	v49 =	vunpack.c.l.s4.s8 v0  }
0x26: {  	v6 =	vunpack.c.l.s4.s8 v52;
	v5 =	vunpack.c.l.s4.s8 v48;
	v3 =	vsel vm14, $0x0, v3  }
0x27: {  	v57 =	vimm.s32 $0x54761032;
	v2 =	vadd.f32 v3, v2;
	v3 =	vunpack.c.0.s8.s32 v49  }
0x28: {  	v54 =	vunpack.c.0.s8.s32 v6;
	v0 =	vmov s2;
	v50 =	vunpack.c.0.s8.s32 v5  }
0x29: {  	v5 =	vunpack.c.l.s4.s8 v51;
	v3 =	vand.u32 $0xF, v3;
	v1 =	vsub.f32 v2, v1  }
0x2a: {  	vm15 =	veq.s32 v0, v4;
	v7 =	vmin.f32 v2, $3.276800000e+04;
	v2 =	vcombine.low v3, v50  }
0x2b: {  	v53 =	vunpack.c.0.s8.s32 v5;
	v3 =	vnsel vm15, $0x0, v7;
	v1 =	vmin.f32 v1, $3.276800000e+04  }
0x2c: {  	v5 =	vunpack.c.l.s4.s8 v56;
	v55 =	vperm.xlane v3, v2;
	v1 =	vnsel vm15, $0x0, v1  }
0x2d: {  	v4 =	vcombine.low v54, v53;
	v7 =	vunpack.c.l.s4.s8 v57;
	v2 =	vperm.xlane v1, v2  }
0x2e: {  	v61 =	vimm.s32 $0x67452301;
	v5 =	vunpack.c.0.s8.s32 v5;
	v3 =	vadd.f32 v3, v55  }
0x2f: {  	v4 =	vand.u32 $0xF, v4;
	v58 =	vunpack.c.0.s8.s32 v7;
	v1 =	vadd.f32 v2, v1  }
0x30: {  	v60 =	vimm.s32 $0xEFCDAB89;
	v6 =	vunpack.c.l.s4.s8 v61;
	v59 =	vperm.xlane v3, v4  }
0x31: {  	v2 =	vcombine.low v58, v5;
	v5 =	vunpack.c.l.s4.s8 v60;
	v4 =	vperm.xlane v1, v4  }
0x32: {  	v6 =	vunpack.c.0.s8.s32 v6;
	v3 =	vadd.f32 v3, v59  }
0x33: {  	v2 =	vand.u32 $0xF, v2;
	v5 =	vunpack.c.0.s8.s32 v5;
	v1 =	vadd.f32 v4, v1  }
0x34: {  	v62 =	vperm.xlane v3, v2  }
0x35: {  	v5 =	vcombine.low v6, v5;
	v2 =	vperm.xlane v1, v2  }
0x36: {  	v3 =	vadd.f32 v3, v62  }
0x37: {  	v63 =	vand.u32 $0xF, v5;
	v1 =	vadd.f32 v2, v1  }
0x38: {  	v2 =	vperm.xlane v3, v63  }
0x39: {  	v4 =	vperm.xlane v1, v63  }
0x3a: {  	v2 =	vadd.f32 v3, v2  }
0x3b: {  	v1 =	vadd.f32 v4, v1  }
0x3c: {  	(v2sf) =	vpush v2, $0x0  }
0x3d: {  	(v2sf) =	vpush v1, $0x0;
	_ =	sdelay $0xd  }
0x3e: {  	s30 =	spop (v2sf)  }
0x3f: {  	s7 =	spop (v2sf)  }
0x40: {  	s11 =	scvt.f32.s32 s30;
	s12 =	scvt.f32.s32 s7  }
0x41: {  	_ = 	snop  }
0x42: {  	p0 =	sle.s32 s11, s12  }
.Ltmp1:
0x43: {  	_ = 	snop;
	(pc) =	sbr.rel @p0 .LBB2_29-.Ltmp1, $3  }
0x44: {  	_ =	sdelay $0x1  }
0x45: {  	s31 =	sshll.u32 s2, $0x4  }
0x46: {  	s5 =	sadd.s32 s31, s3;
	v1 =	vimm.f32 $0.0e+00  }
0x47: {  	s8 =	sadd.s32 $0xC00, s6;
	s22 =	sadd.s32 $0x2000, s6;
	s9 =	sshrl.u32 s12, $0x3  }
0x48: {  	s10 =	simm.s32 $0x0;
	s7 =	simm.s32 $0x1100;
	s6 =	sadd.s32 s22, s9  }
0x49: {  	[tilespmem:s7], [sflag:$0x2] =	stream.linear.gather [hbm4b:s6+s10], $0x1040, $0x38;
	[tilespmem:$0x2310] =	vst v63  }
0x4a: {  	s7 =	sand.u32 $0xFFFFFFF8, s12  }
0x4b: {  	s24 =	simm.s32 $0x80;
	s23 =	sadd.s32 s8, s9;
	s25 =	ssub.s32 s11, s7  }
0x4c: {  	[tilespmem:s24], [sflag:$0x1] =	stream.linear.gather [hbm4b:s23+s10], $0x1040, $0x38;
	[tilespmem:$0x2310] =	vst v63  }
0x4d: {  	s26 =	sadd.s32 $0x3F, s25  }
0x4e: {  	s30 =	sand.u32 $0x7, s12;
	s28 =	sand.u32 $0x3F, s26  }
0x4f: {  	s29 =	sshra.s32 s26, $0x1F;
	p0 =	slt.s32 s26, $0x1;
	p1 =	sne.s32 s28, $0x0  }
0x50: {  	s13 =	simm.s32 $0x2;
	s10 =	sshrl.u32 s29, $0x1A;
	p0 =	por !p0, !p1  }
0x51: {  	s6 =	sadd.s32 s10, s26;
	s10 =	simm.s32 $0x1;
	p0 =	por !p0, !p0  }
0x52: {  	s8 =	sadd.s32 $0x3F, s30;
	s6 =	sshra.s32 s6, $0x6;
	s10 =	simm.s32 @!p0 $0x0  }
0x53: {  	_ =	swait.ge [sflag:s13], $0x1040;
	s6 =	ssub.s32 s6, s10;
	s10 =	sshrl.u32 s8, $0x6  }
0x54: {  	[sflag:s13] =	ssyncset.done $0x0;
	p0 =	slt.s32 s10, s6;
	s8 =	smov.u32 s6  }
0x55: {  	[sflag:s13] =	ssyncadd.s32 $0xFFFFEFC0;
	s8 =	smov.u32 @p0 s10  }
0x56: {  	p0 =	sne.s32 s11, s7;
	s10 =	simm.s32 $0x1;
	p2 =	slt.s32 s8, $0x1  }
0x57: {  	s15 =	sshra.s32 s25, $0x1F;
	s10 =	simm.s32 @!p0 $0x0;
	v1 =	vld @!p2 [tilespmem:$0x1100]  }
0x58: {  	s16 =	sand.u32 $0x3F, s25;
	v2 =	vlaneseq.u32 @!p2;
	v3 =	vld @!p2 [tilespmem:$0x1110];
	s10 =	sor.u32 s10, s15  }
0x59: {  	p6 =	sne.s32 s16, $0x0;
	v4 =	vadd.s32 @!p2 s7, v2;
	p5 =	sne.s32 s10, $0x1  }
0x5a: {  	s31 =	sshrl.u32 s15, $0x1A;
	s14 =	sadd.s32 @!p2 $0x10, s7;
	vm0 =	vge.s32 @!p2 v4, s12;
	vm1 =	vlt.s32 @!p2 v4, s11;
	v4 =	vld @!p2 [tilespmem:$0x1120];
	p0 =	por !p6, !p5  }
0x5b: {  	s16 =	simm.s32 $0x1;
	s9 =	sadd.s32 s31, s25;
	v5 =	vadd.s32 @!p2 s14, v2;
	vm0 =	vmand @!p2 vm0, vm1;
	p0 =	por !p0, !p0  }
0x5c: {  	s17 =	sshra.s32 s9, $0x6;
	s13 =	sadd.s32 @!p2 $0x20, s7;
	vm2 =	vlt.s32 @!p2 v5, s11;
	vm1 =	vge.s32 @!p2 v5, s12;
	v5 =	vld @!p2 [tilespmem:$0x1130];
	s16 =	simm.s32 @!p0 $0x0;
	v1 =	vnsel @!p2 vm0, $0xFF800000, v1  }
0x5d: {  	v6 =	vadd.s32 @!p2 s13, v2;
	vm0 =	vmand @!p2 vm1, vm2;
	s10 =	ssub.s32 s17, s16;
	v3 =	vmax.f32 @!p2 v1, v3  }
0x5e: {  	s15 =	sadd.s32 @!p2 $0x30, s7;
	vm1 =	vge.s32 @!p2 v6, s12;
	vm2 =	vlt.s32 @!p2 v6, s11;
	p3 =	sle.s32 s10, s8;
	v1 =	vsel @!p2 vm0, v3, v1  }
.Ltmp2:
0x5f: {  	v2 =	vadd.s32 @!p2 s15, v2;
	vm0 =	vmand @!p2 vm1, vm2;
	v3 =	vmax.f32 @!p2 v1, v4;
	(pc) =	sbr.rel @p3 .LBB2_6-.Ltmp2, $4  }
0x60: {  	vm1 =	vge.s32 @!p2 v2, s12;
	vm2 =	vlt.s32 @!p2 v2, s11;
	v1 =	vsel @!p2 vm0, v3, v1  }
0x61: {  	s18 =	simm.s32 $0xFFFFFFFF;
	vm0 =	vmand @!p2 vm1, vm2;
	v2 =	vmax.f32 @!p2 v1, v5  }
0x62: {  	s9 =	smov.u32 s8;
	s18 =	simm.s32 @!p0 $0x0;
	p0 =	sgt.s32 s10, s8;
	v1 =	vsel @!p2 vm0, v2, v1  }
0x63: {  	s16 =	sadd.s32 s18, s17;
	s17 =	sshll.u32 s8, $0x8;
	s9 =	smov.u32 @p0 s10;
	v4 =	vpsel p2, $0xFF800000, v1  }
0x64: {  	s19 =	sshra.s32 s17, $0x2  }
0x65: {  	s18 =	ssub.s32 s16, s8;
	s19 =	sadd.s32 $0x1120, s19  }
0x66: {  	p0 =	seq.s32 s18, $0x1;
	v5 =	vld [tilespmem:s19+$0xFFFFFFE0]  }
.Ltmp3:
0x67: {  	v1 =	vld [tilespmem:s19+$0xFFFFFFF0];
	(pc) =	sbr.rel @p0 .LBB2_5-.Ltmp3, $3  }
0x68: {  	v2 =	vld [tilespmem:s19+$0x0]  }
0x69: {  	v3 =	vld [tilespmem:s19+$0x10];
	_ =	sdelay $0x1  }
0x6a: {  	s18 =	sadd.s32 $0xFFFFFFFF, s18;
	s19 =	sadd.s32 $0x40, s19;
	v4 =	vmax.f32 v4, v5  }
.LBB2_4:
0x6b: {  	v5 =	vld [tilespmem:s19+$0xFFFFFFE0];
	p0 =	seq.s32 s18, $0x1;
	s18 =	sadd.s32 $0xFFFFFFFF, s18;
	v4 =	vmax.f32 v4, v1  }
.Ltmp4:
0x6c: {  	v1 =	vld [tilespmem:s19+$0xFFFFFFF0];
	v4 =	vmax.f32 v4, v2;
	(pc) =	sbr.rel @!p0 .LBB2_4-.Ltmp4, $3  }
0x6d: {  	v2 =	vld [tilespmem:s19+$0x0];
	v4 =	vmax.f32 v4, v3  }
0x6e: {  	v3 =	vld [tilespmem:s19+$0x10];
	_ =	sdelay $0x1  }
0x6f: {  	s19 =	sadd.s32 $0x40, s19;
	v4 =	vmax.f32 v4, v5  }
.LBB2_5:
0x70: {  	v1 =	vmax.f32 v4, v1  }
0x71: {  	v1 =	vmax.f32 v1, v2  }
0x72: {  	v4 =	vmax.f32 v1, v3  }
.LBB2_6:
0x73: {  	p0 =	sge.s32 s9, s6  }
.Ltmp5:
0x74: {  	_ = 	snop;
	(pc) =	sbr.rel @p0 .LBB2_10-.Ltmp5, $2  }
0x75: {  	_ =	sdelay $0x2  }
0x76: {  	v2 =	vmov s12;
	v1 =	vmov s11;
	p1 =	sgt.s32 s8, s10  }
0x77: {  	s18 =	smov.u32 s10  }
0x78: {  	s18 =	smov.u32 @p1 s8  }
0x79: {  	s19 =	sshll.u32 s18, $0x8  }
0x7a: {  	s19 =	sshra.s32 s19, $0x2  }
0x7b: {  	s20 =	sadd.s32 $0x1120, s19  }
0x7c: {  	v5 =	vld [tilespmem:s20+$0xFFFFFFE0];
	_ =	sdelay $0x1  }
0x7d: {  	s18 =	sshll.u32 s18, $0x6;
	s19 =	sadd.s32 $0x1, s9  }
0x7e: {  	v3 =	vlaneseq.u32;
	s18 =	sadd.s32 s7, s18;
	v7 =	vld [tilespmem:s20+$0xFFFFFFF0];
	p4 =	slt.s32 s19, s6  }
.Ltmp6:
0x7f: {  	v6 =	vadd.s32 s18, v3;
	(pc) =	sbr.rel @!p4 .LBB2_9-.Ltmp6, $4  }
0x80: {  	s21 =	sadd.s32 $0x10, s18;
	vm0 =	vge.s32 v6, v2;
	vm1 =	vlt.s32 v6, v1;
	v6 =	vmax.f32 v4, v5;
	v5 =	vld [tilespmem:s20+$0x0]  }
0x81: {  	v8 =	vadd.s32 s21, v3;
	vm0 =	vmand vm0, vm1  }
0x82: {  	s31 =	sadd.s32 $0x20, s18;
	vm1 =	vlt.s32 v8, v1;
	v6 =	vsel vm0, v6, v4;
	vm0 =	vge.s32 v8, v2;
	v4 =	vld [tilespmem:s20+$0x10]  }
0x83: {  	s20 =	sadd.s32 $0x40, s20;
	vm0 =	vmand vm0, vm1;
	v8 =	vmax.f32 v6, v7;
	v7 =	vadd.s32 s31, v3  }
.LBB2_8:
0x84: {  	v9 =	vld [tilespmem:s20+$0xFFFFFFE0];
	s19 =	sadd.s32 $0x1, s19;
	v6 =	vsel vm0, v8, v6;
	vm0 =	vge.s32 v7, v2;
	vm1 =	vlt.s32 v7, v1;
	s21 =	sadd.s32 $0x30, s18  }
0x85: {  	p4 =	slt.s32 s19, s6;
	vm0 =	vmand vm0, vm1;
	v5 =	vmax.f32 v6, v5;
	v7 =	vadd.s32 s21, v3  }
0x86: {  	s18 =	sadd.s32 $0x40, s18;
	v8 =	vld [tilespmem:s20+$0xFFFFFFF0];
	v6 =	vsel vm0, v5, v6;
	vm0 =	vge.s32 v7, v2;
	vm1 =	vlt.s32 v7, v1  }
.Ltmp7:
0x87: {  	v5 =	vadd.s32 s18, v3;
	vm0 =	vmand vm0, vm1;
	v4 =	vmax.f32 v6, v4;
	(pc) =	sbr.rel @p4 .LBB2_8-.Ltmp7, $4  }
0x88: {  	s21 =	sadd.s32 $0x10, s18;
	vm1 =	vge.s32 v5, v2;
	vm2 =	vlt.s32 v5, v1;
	v5 =	vld [tilespmem:s20+$0x0];
	v4 =	vsel vm0, v4, v6  }
0x89: {  	v7 =	vadd.s32 s21, v3;
	vm0 =	vmand vm1, vm2;
	v6 =	vmax.f32 v4, v9  }
0x8a: {  	s21 =	sadd.s32 $0x20, s18;
	vm1 =	vlt.s32 v7, v1;
	v6 =	vsel vm0, v6, v4;
	vm0 =	vge.s32 v7, v2;
	v4 =	vld [tilespmem:s20+$0x10]  }
0x8b: {  	v7 =	vadd.s32 s21, v3;
	s20 =	sadd.s32 $0x40, s20;
	vm0 =	vmand vm0, vm1;
	v8 =	vmax.f32 v6, v8  }
.LBB2_9:
0x8c: {  	v6 =	vsel vm0, v8, v6;
	vm13 =	vge.s32 v7, v2;
	vm1 =	vlt.s32 v7, v1;
	s18 =	sadd.s32 $0x30, s18  }
0x8d: {  	vm0 =	vmand vm13, vm1;
	v5 =	vmax.f32 v6, v5;
	v3 =	vadd.s32 s18, v3  }
0x8e: {  	v5 =	vsel vm0, v5, v6;
	vm14 =	vge.s32 v3, v2;
	vm15 =	vlt.s32 v3, v1  }
0x8f: {  	vm0 =	vmand vm14, vm15;
	v3 =	vmax.f32 v5, v4  }
0x90: {  	v4 =	vsel vm0, v3, v5  }
.LBB2_10:
0x91: {  	v3 =	vimm.s32 $0xFEDCBA98  }
0x92: {  	v5 =	vimm.s32 $0x76543210;
	v3 =	vunpack.c.l.s4.s8 v3  }
0x93: {  	v5 =	vunpack.c.l.s4.s8 v5  }
0x94: {  	v3 =	vunpack.c.0.s8.s32 v3  }
0x95: {  	v5 =	vunpack.c.0.s8.s32 v5  }
0x96: {  	v6 =	vimm.s32 $0xBA98FEDC;
	v3 =	vand.u32 $0xF, v3  }
0x97: {  	v3 =	vcombine.low v3, v5;
	v5 =	vunpack.c.l.s4.s8 v6;
	v6 =	vimm.s32 $0x32107654  }
0x98: {  	v6 =	vunpack.c.l.s4.s8 v6  }
0x99: {  	v7 =	vimm.s32 $0xDCFE98BA;
	v8 =	vimm.s32 $0x54761032  }
0x9a: {  	v3 =	vperm.xlane v4, v3;
	v5 =	vunpack.c.0.s8.s32 v5;
	v6 =	vunpack.c.0.s8.s32 v6  }
0x9b: {  	v7 =	vunpack.c.l.s4.s8 v7;
	v8 =	vunpack.c.l.s4.s8 v8  }
0x9c: {  	v63 =	vimm.s32 $0x67452301;
	v3 =	vmax.f32 v4, v3;
	v4 =	vcombine.low v6, v5  }
0x9d: {  	v5 =	vunpack.c.0.s8.s32 v7;
	v6 =	vunpack.c.0.s8.s32 v8;
	v7 =	vimm.s32 $0xEFCDAB89  }
0x9e: {  	s18 =	simm.s32 $0x1;
	v8 =	vunpack.c.l.s4.s8 v63;
	v7 =	vunpack.c.l.s4.s8 v7;
	v4 =	vperm.xlane v3, v4  }
0x9f: {  	_ =	swait.ge [sflag:s18], $0x1040;
	v5 =	vcombine.low v6, v5  }
0xa0: {  	[sflag:s18] =	ssyncset.done $0x0;
	v6 =	vunpack.c.0.s8.s32 v8;
	v3 =	vmax.f32 v3, v4;
	v4 =	vunpack.c.0.s8.s32 v7  }
0xa1: {  	[sflag:s18] =	ssyncadd.s32 $0xFFFFEFC0;
	v5 =	vperm.xlane v3, v5  }
0xa2: {  	v4 =	vcombine.low v6, v4;
	v6 =	vld @!p2 [tilespmem:$0x1100]  }
0xa3: {  	v3 =	vmax.f32 v3, v5  }
0xa4: {  	v5 =	vld @!p2 [tilespmem:$0x1110];
	v4 =	vperm.xlane v3, v4;
	_ =	sdelay $0x1  }
0xa5: {  	v4 =	vmax.f32 v3, v4  }
0xa6: {  	v3 =	vsub.f32 @!p2 v6, v4;
	_ =	sdelay $0x1  }
0xa7: {  	v6 =	vld @!p2 [tilespmem:$0x1120];
	v5 =	vsub.f32 @!p2 v5, v4;
	v3 =	vmul.f32 @!p2 $1.442695020e+00, v3;
	_ =	sdelay $0x1  }
0xa8: {  	(erf) = vpow2.f32 @!p2 v3;
	v3 =	vmul.f32 @!p2 $1.442695020e+00, v5;
	v5 =	vld @!p2 [tilespmem:$0x1130];
	_ =	sdelay $0x1  }
0xa9: {  	(erf) = vpow2.f32 @!p2 v3  }
0xaa: {  	v3 =	vsub.f32 @!p2 v6, v4;
	_ =	sdelay $0x1  }
0xab: {  	v7 =	vlaneseq.u32 @!p2;
	v3 =	vmul.f32 @!p2 $1.442695020e+00, v3;
	v5 =	vsub.f32 @!p2 v5, v4  }
0xac: {  	v8 =	vadd.s32 @!p2 s7, v7;
	v6 =	vld @!p2 [tilespmem:$0x80]  }
0xad: {  	(erf) = vpow2.f32 @!p2 v3;
	v3 =	vmul.f32 @!p2 $1.442695020e+00, v5  }
0xae: {  	vm0 =	vge.s32 @!p2 v8, s12;
	vm1 =	vlt.s32 @!p2 v8, s11;
	v5 =	vld @!p2 [tilespmem:$0x90]  }
0xaf: {  	v9 =	vadd.s32 @!p2 s14, v7;
	vm0 =	vmand @!p2 vm0, vm1;
	v8 =	vpop @!p2 (erf);
	(erf) = vpow2.f32 @!p2 v3  }
0xb0: {  	vm1 =	vlt.s32 @!p2 v9, s11;
	v3 =	vnsel @!p2 vm0, $0x0, v8;
	vm0 =	vge.s32 @!p2 v9, s12  }
0xb1: {  	v8 =	vpop @!p2 (erf);
	v6 =	vmul.f32 @!p2 v3, v6;
	vm0 =	vmand @!p2 vm0, vm1  }
0xb2: {  	v8 =	vnsel @!p2 vm0, $0x0, v8  }
0xb3: {  	v10 =	vadd.s32 @!p2 s13, v7;
	v9 =	vld @!p2 [tilespmem:$0xA0];
	v6 =	vadd.f32 @!p2 $0.0e+00, v6;
	v5 =	vmul.f32 @!p2 v8, v5;
	_ =	sdelay $0x1  }
0xb4: {  	vm1 =	vlt.s32 @!p2 v10, s11;
	vm0 =	vge.s32 @!p2 v10, s12;
	v5 =	vadd.f32 @!p2 v5, v6;
	v6 =	vld @!p2 [tilespmem:$0xB0]  }
0xb5: {  	v7 =	vadd.s32 @!p2 s15, v7;
	v3 =	vadd.f32 @!p2 $0.0e+00, v3;
	vm0 =	vmand @!p2 vm0, vm1;
	v10 =	vpop @!p2 (erf)  }
0xb6: {  	vm1 =	vlt.s32 @!p2 v7, s11;
	v10 =	vnsel @!p2 vm0, $0x0, v10;
	vm0 =	vge.s32 @!p2 v7, s12  }
0xb7: {  	v3 =	vadd.f32 @!p2 v8, v3;
	vm0 =	vmand @!p2 vm0, vm1;
	v7 =	vmul.f32 @!p2 v10, v9;
	v8 =	vpop @!p2 (erf)  }
0xb8: {  	v8 =	vnsel @!p2 vm0, $0x0, v8  }
.Ltmp8:
0xb9: {  	v3 =	vadd.f32 @!p2 v10, v3;
	v5 =	vadd.f32 @!p2 v7, v5;
	v6 =	vmul.f32 @!p2 v8, v6;
	(pc) =	sbr.rel @p3 .LBB2_13-.Ltmp8, $3  }
0xba: {  	_ = 	snop  }
0xbb: {  	v3 =	vadd.f32 @!p2 v8, v3;
	v6 =	vadd.f32 @!p2 v6, v5;
	_ =	sdelay $0x1  }
0xbc: {  	v5 =	vpsel p2, $0x0, v3;
	v3 =	vpsel p2, $0x0, v6  }
0xbd: {  	s13 =	ssub.s32 s16, s8  }
0xbe: {  	p5 =	seq.s32 s13, $0x1  }
.Ltmp9:
0xbf: {  	_ = 	snop;
	(pc) =	sbr.rel @p5 .LBB2_12-.Ltmp9, $4  }
0xc0: {  	_ = 	snop  }
0xc1: {  	s12 =	sshra.s32 s17, $0x2  }
0xc2: {  	p2 =	por $0x0, $0x0;
	s11 =	sadd.s32 $0xA0, s12;
	s12 =	sadd.s32 $0x1120, s12  }
0xc3: {  	p3 =	por $0x0, $0x0;
	p4 =	por $0x0, $0x0;
	s13 =	sadd.s32 $0xFFFFFFFF, s13;
	v8 =	vld [tilespmem:s12+$0xFFFFFFE0]  }
0xc4: {  	_ = 	snop  }
0xc5: {  	v6 =	vld [tilespmem:s12+$0xFFFFFFF0];
	_ =	sdelay $0x1  }
0xc6: {  	v7 =	vld [tilespmem:s12+$0x0];
	p5 =	seq.s32 s13, $0x1  }
.Ltmp10:
0xc7: {  	v8 =	vsub.f32 v8, v4;
	(pc) =	sbr.rel @p5 .LBB2_17-.Ltmp10, $4  }
0xc8: {  	_ = 	snop  }
0xc9: {  	v6 =	vsub.f32 v6, v4;
	v11 =	vmul.f32 $1.442695020e+00, v8  }
0xca: {  	v9 =	vld [tilespmem:s12+$0x10];
	s12 =	sadd.s32 $0x40, s12  }
0xcb: {  	s13 =	sadd.s32 $0xFFFFFFFF, s13;
	p2 =	por $0x1, $0x1;
	v13 =	vsub.f32 v7, v4;
	v8 =	vld [tilespmem:s12+$0xFFFFFFE0];
	v10 =	vmul.f32 $1.442695020e+00, v6;
	(erf) = vpow2.f32 v11  }
0xcc: {  	_ =	sdelay $0x2  }
0xcd: {  	v7 =	vsub.f32 v9, v4  }
0xce: {  	v12 =	vmul.f32 $1.442695020e+00, v13;
	v8 =	vsub.f32 v8, v4  }
0xcf: {  	(erf) = vpow2.f32 v10;
	v7 =	vmul.f32 $1.442695020e+00, v7  }
0xd0: {  	(erf) = vpow2.f32 v12;
	v12 =	vmul.f32 $1.442695020e+00, v8  }
0xd1: {  	(erf) = vpow2.f32 v7  }
0xd2: {  	(erf) = vpow2.f32 v12  }
0xd3: {  	v6 =	vld [tilespmem:s12+$0xFFFFFFF0];
	_ =	sdelay $0x1  }
0xd4: {  	v11 =	vld [tilespmem:s12+$0x0];
	p5 =	seq.s32 s13, $0x1  }
.Ltmp11:
0xd5: {  	_ = 	snop;
	(pc) =	sbr.rel @p5 .LBB2_19-.Ltmp11, $4  }
0xd6: {  	v9 =	vld [tilespmem:s12+$0x10]  }
0xd7: {  	s12 =	sadd.s32 $0x40, s12;
	v10 =	vsub.f32 v6, v4;
	v6 =	vld [tilespmem:s11+$0xFFFFFFE0]  }
0xd8: {  	v8 =	vld [tilespmem:s12+$0xFFFFFFE0]  }
0xd9: {  	s14 =	sadd.s32 $0xFFFFFFFF, s13;
	p3 =	por $0x1, $0x1;
	v13 =	vsub.f32 v11, v4;
	v10 =	vmul.f32 $1.442695020e+00, v10;
	v7 =	vld [tilespmem:s11+$0xFFFFFFF0]  }
0xda: {  	_ = 	snop  }
0xdb: {  	v14 =	vld [tilespmem:s12+$0xFFFFFFF0]  }
0xdc: {  	v12 =	vpop (erf);
	v11 =	vmul.f32 $1.442695020e+00, v13;
	v9 =	vsub.f32 v9, v4;
	v13 =	vld [tilespmem:s11+$0x0];
	(erf) = vpow2.f32 v10  }
0xdd: {  	v17 =	vld [tilespmem:s12+$0x0];
	p5 =	seq.s32 s14, $0x1;
	v10 =	vmul.f32 v12, v6;
	v8 =	vsub.f32 v8, v4  }
.Ltmp12:
0xde: {  	v15 =	vpop (erf);
	v18 =	vadd.f32 v12, v5;
	v16 =	vmul.f32 $1.442695020e+00, v9;
	(erf) = vpow2.f32 v11;
	v11 =	vld [tilespmem:s11+$0x10];
	(pc) =	sbr.rel @p5 .LBB2_21-.Ltmp12, $4  }
0xdf: {  	s13 =	sadd.s32 $0x40, s11;
	v9 =	vld [tilespmem:s12+$0x10];
	v10 =	vadd.f32 v10, v3;
	v19 =	vmul.f32 v15, v7;
	v20 =	vmul.f32 $1.442695020e+00, v8  }
0xe0: {  	v12 =	vpop (erf);
	s12 =	sadd.s32 $0x40, s12;
	v15 =	vadd.f32 v15, v18;
	v21 =	vsub.f32 v14, v4;
	v14 =	vld [tilespmem:s13+$0xFFFFFFE0];
	(erf) = vpow2.f32 v16  }
0xe1: {  	v8 =	vld [tilespmem:s12+$0xFFFFFFE0];
	v18 =	vadd.f32 v19, v10;
	v19 =	vmul.f32 v12, v13;
	(erf) = vpow2.f32 v20  }
0xe2: {  	s14 =	sadd.s32 $0xFFFFFFFF, s14;
	p4 =	por $0x1, $0x1;
	v13 =	vsub.f32 v17, v4;
	v17 =	vld [tilespmem:s13+$0xFFFFFFF0];
	v16 =	vpop (erf);
	v10 =	vmul.f32 $1.442695020e+00, v21  }
.LBB2_22:
0xe3: {  	p5 =	seq.s32 s14, $0x1;
	v20 =	vld [tilespmem:s12+$0xFFFFFFF0];
	v21 =	vpop (erf);
	v12 =	vadd.f32 v12, v15;
	v15 =	vadd.f32 v19, v18;
	v11 =	vmul.f32 v16, v11  }
0xe4: {  	v13 =	vmul.f32 $1.442695020e+00, v13;
	v9 =	vsub.f32 v9, v4;
	(erf) = vpow2.f32 v10;
	v10 =	vld [tilespmem:s13+$0x0]  }
0xe5: {  	v22 =	vld [tilespmem:s12+$0x0];
	v14 =	vmul.f32 v21, v14;
	v18 =	vpop (erf);
	v23 =	vadd.f32 v16, v12;
	v15 =	vadd.f32 v11, v15  }
.Ltmp13:
0xe6: {  	v8 =	vsub.f32 v8, v4;
	v24 =	vmul.f32 $1.442695020e+00, v9;
	(erf) = vpow2.f32 v13;
	v11 =	vld [tilespmem:s13+$0x10];
	(pc) =	sbr.rel @!p5 .LBB2_22-.Ltmp13, $4  }
0xe7: {  	s13 =	sadd.s32 $0x40, s13;
	v9 =	vld [tilespmem:s12+$0x10];
	v13 =	vadd.f32 v21, v23;
	v19 =	vadd.f32 v14, v15;
	v17 =	vmul.f32 v18, v17;
	v12 =	vpop (erf)  }
0xe8: {  	s12 =	sadd.s32 $0x40, s12;
	v21 =	vmul.f32 $1.442695020e+00, v8;
	v20 =	vsub.f32 v20, v4;
	v14 =	vld [tilespmem:s13+$0xFFFFFFE0];
	(erf) = vpow2.f32 v24  }
0xe9: {  	v8 =	vld [tilespmem:s12+$0xFFFFFFE0];
	v15 =	vadd.f32 v18, v13;
	v18 =	vadd.f32 v17, v19;
	v19 =	vmul.f32 v12, v10;
	v16 =	vpop (erf)  }
0xea: {  	s14 =	sadd.s32 $0xFFFFFFFF, s14;
	v10 =	vmul.f32 $1.442695020e+00, v20;
	v13 =	vsub.f32 v22, v4;
	(erf) = vpow2.f32 v21;
	v17 =	vld [tilespmem:s13+$0xFFFFFFF0]  }
0xeb: {  	_ = 	snop  }
.LBB2_24:
0xec: {  	v12 =	vadd.f32 @p4 v12, v15  }
0xed: {  	v15 =	vadd.f32 @p4 v19, v18;
	v11 =	vmul.f32 @p4 v16, v11;
	v50 =	vld [tilespmem:s12+$0xFFFFFFF0];
	v13 =	vmul.f32 @p2 $1.442695020e+00, v13  }
0xee: {  	v19 =	vpop @p3 (erf);
	v9 =	vsub.f32 @p2 v9, v4;
	(erf) = vpow2.f32 @p2 v10;
	v51 =	vld [tilespmem:s12+$0x0];
	v12 =	vadd.f32 @p4 v16, v12  }
0xef: {  	v10 =	vld @p3 [tilespmem:s13+$0x0];
	v14 =	vmul.f32 @p3 v19, v14;
	v11 =	vadd.f32 @p4 v11, v15;
	v8 =	vsub.f32 v8, v4  }
0xf0: {  	v16 =	vld @p3 [tilespmem:s13+$0x10];
	v9 =	vmul.f32 @p2 $1.442695020e+00, v9;
	(erf) = vpow2.f32 @p2 v13;
	v12 =	vpsel p4, v12, v5  }
0xf1: {  	v15 =	vpop @p3 (erf);
	v11 =	vpsel p4, v11, v3;
	v8 =	vmul.f32 $1.442695020e+00, v8;
	v12 =	vadd.f32 @p3 v19, v12  }
0xf2: {  	s14 =	smov.u32 s11;
	v53 =	vld [tilespmem:s12+$0x10];
	s13 =	sadd.s32 @p3 $0x40, s13;
	v11 =	vadd.f32 @p3 v14, v11;
	v14 =	vmul.f32 @p3 v15, v17;
	v52 =	vsub.f32 v50, v4  }
0xf3: {  	s14 =	smov.u32 @p3 s13;
	v17 =	vpop @p3 (erf);
	(erf) = vpow2.f32 @p2 v9;
	v13 =	vsub.f32 v51, v4;
	v12 =	vadd.f32 @p3 v15, v12  }
0xf4: {  	v9 =	vmul.f32 @p3 v17, v10;
	v10 =	vpop @p3 (erf);
	v17 =	vpsel p3, v17, v0;
	v11 =	vadd.f32 @p3 v14, v11;
	v15 =	vld @p2 [tilespmem:s14+$0xFFFFFFE0]  }
0xf5: {  	v16 =	vpsel p3, v16, v0;
	v10 =	vpsel p3, v10, v0;
	v12 =	vpsel p3, v12, v0  }
0xf6: {  	v18 =	vld @p2 [tilespmem:s14+$0xFFFFFFF0];
	v9 =	vpsel p3, v9, v0;
	v11 =	vpsel p3, v11, v0;
	v12 =	vadd.f32 @p3 v17, v12  }
0xf7: {  	v55 =	vsub.f32 v53, v4;
	v9 =	vadd.f32 @p3 v9, v11;
	v11 =	vmul.f32 @p3 v10, v16  }
0xf8: {  	(erf) = vpow2.f32 v8;
	v14 =	vmul.f32 $1.442695020e+00, v52;
	v10 =	vadd.f32 @p3 v10, v12  }
0xf9: {  	v54 =	vmul.f32 $1.442695020e+00, v13;
	v8 =	vpop @p2 (erf);
	v6 =	vpsel p2, v15, v6;
	v9 =	vadd.f32 @p3 v11, v9;
	v12 =	vld @p2 [tilespmem:s14+$0x0]  }
0xfa: {  	v56 =	vmul.f32 $1.442695020e+00, v55;
	v16 =	vld @p2 [tilespmem:s14+$0x10];
	v6 =	vmul.f32 @p2 v8, v6;
	v10 =	vpsel p3, v10, v5  }
0xfb: {  	v7 =	vpsel p2, v18, v7;
	v15 =	vpop @p2 (erf);
	v9 =	vpsel p3, v9, v3;
	v8 =	vadd.f32 @p2 v8, v10  }
0xfc: {  	s12 =	sadd.s32 @p2 $0x40, s14;
	(erf) = vpow2.f32 v14;
	v7 =	vmul.f32 @p2 v15, v7;
	v6 =	vadd.f32 @p2 v6, v9  }
0xfd: {  	s11 =	smov.u32 @p2 s12;
	(erf) = vpow2.f32 v54;
	v10 =	vpop @p2 (erf);
	v8 =	vadd.f32 @p2 v15, v8  }
0xfe: {  	v57 =	vld [tilespmem:s11+$0xFFFFFFE0];
	v6 =	vadd.f32 @p2 v7, v6;
	(erf) = vpow2.f32 v56;
	v7 =	vmul.f32 @p2 v10, v12  }
0xff: {  	v11 =	vpop @p2 (erf);
	v10 =	vpsel p2, v10, v0;
	v12 =	vpsel p2, v16, v0;
	v8 =	vpsel p2, v8, v0  }
0x100: {  	v6 =	vpsel p2, v6, v0;
	v11 =	vpsel p2, v11, v0;
	v7 =	vpsel p2, v7, v0  }
0x101: {  	v58 =	vld [tilespmem:s11+$0xFFFFFFF0];
	v8 =	vadd.f32 @p2 v10, v8;
	v6 =	vadd.f32 @p2 v7, v6;
	v7 =	vmul.f32 @p2 v11, v12  }
0x102: {  	v59 =	vpop (erf)  }
0x103: {  	v60 =	vld [tilespmem:s11+$0x0];
	v8 =	vadd.f32 @p2 v11, v8;
	v6 =	vadd.f32 @p2 v7, v6;
	v7 =	vmul.f32 v59, v57;
	_ =	sdelay $0x1  }
0x104: {  	v62 =	vld [tilespmem:s11+$0x10];
	v61 =	vpop (erf);
	v5 =	vpsel p2, v8, v5;
	v3 =	vpsel p2, v6, v3  }
0x105: {  	v5 =	vadd.f32 v59, v5;
	v6 =	vmul.f32 v61, v58;
	v3 =	vadd.f32 v7, v3  }
0x106: {  	v7 =	vpop (erf)  }
0x107: {  	v5 =	vadd.f32 v61, v5;
	v3 =	vadd.f32 v6, v3;
	v6 =	vmul.f32 v7, v60  }
0x108: {  	v63 =	vpop (erf)  }
0x109: {  	v5 =	vadd.f32 v7, v5;
	v3 =	vadd.f32 v6, v3;
	v6 =	vmul.f32 v63, v62;
	_ =	sdelay $0x1  }
0x10a: {  	v5 =	vadd.f32 v63, v5;
	v3 =	vadd.f32 v6, v3  }
.LBB2_13:
.Ltmp14:
0x10b: {  	(pc) =	sbr.rel @p0 .LBB2_28-.Ltmp14, $1  }
0x10c: {  	_ =	sdelay $0x3  }
0x10d: {  	s10 =	smov.u32 @p1 s8  }
0x10e: {  	s8 =	sshll.u32 s10, $0x6;
	s10 =	sshll.u32 s10, $0x8  }
0x10f: {  	s11 =	sshra.s32 s10, $0x2  }
0x110: {  	s10 =	sadd.s32 $0x1120, s11  }
0x111: {  	v7 =	vld [tilespmem:s10+$0xFFFFFFE0]  }
0x112: {  	v8 =	vld [tilespmem:s10+$0xFFFFFFF0]  }
0x113: {  	v9 =	vld [tilespmem:s10+$0x0]  }
0x114: {  	v10 =	vld [tilespmem:s10+$0x10]  }
0x115: {  	s9 =	sadd.s32 $0x1, s9  }
0x116: {  	p1 =	slt.s32 s9, s6;
	v7 =	vsub.f32 v7, v4  }
.Ltmp15:
0x117: {  	v8 =	vsub.f32 v8, v4;
	(pc) =	sbr.rel @!p1 .LBB2_15-.Ltmp15, $4  }
0x118: {  	v9 =	vsub.f32 v9, v4;
	v7 =	vmul.f32 $1.442695020e+00, v7  }
0x119: {  	s7 =	sadd.s32 s7, s8;
	v11 =	vsub.f32 v10, v4;
	v8 =	vmul.f32 $1.442695020e+00, v8  }
0x11a: {  	v6 =	vlaneseq.u32;
	s8 =	sadd.s32 $0x30, s7;
	s7 =	sadd.s32 $0xA0, s11;
	v9 =	vmul.f32 $1.442695020e+00, v9;
	(erf) = vpow2.f32 v7  }
0x11b: {  	p0 =	por $0x0, $0x0;
	s10 =	sadd.s32 $0x40, s10;
	v10 =	vadd.s32 s8, v6;
	v7 =	vld [tilespmem:s7+$0xFFFFFFE0];
	(erf) = vpow2.f32 v8;
	v8 =	vmul.f32 $1.442695020e+00, v11  }
0x11c: {  	_ =	sdelay $0x2  }
0x11d: {  	s11 =	sadd.s32 $0xFFFFFFF0, s8;
	(erf) = vpow2.f32 v9;
	v9 =	vld [tilespmem:s10+$0xFFFFFFE0];
	s12 =	sadd.s32 $0xFFFFFFD0, s8  }
0x11e: {  	v11 =	vadd.s32 s11, v6;
	v12 =	vadd.s32 s12, v6;
	(erf) = vpow2.f32 v8;
	v8 =	vld [tilespmem:s10+$0xFFFFFFF0]  }
0x11f: {  	s13 =	sadd.s32 $0xFFFFFFE0, s8;
	vm0 =	vge.s32 v10, v2;
	vm2 =	vge.s32 v11, v2;
	vm3 =	vlt.s32 v11, v1;
	v11 =	vld [tilespmem:s7+$0xFFFFFFF0]  }
0x120: {  	vm1 =	vlt.s32 v10, v1;
	v10 =	vld [tilespmem:s10+$0x0];
	v13 =	vadd.s32 s13, v6;
	vm13 =	vge.s32 v12, v2  }
0x121: {  	vm4 =	vlt.s32 v12, v1;
	vm5 =	vge.s32 v13, v2;
	vm14 =	vlt.s32 v13, v1;
	v12 =	vpop (erf)  }
0x122: {  	vm0 =	vmand vm0, vm1;
	vm1 =	vmand vm13, vm4;
	vm15 =	vmand vm5, vm14;
	v15 =	vpop (erf)  }
0x123: {  	v13 =	vld [tilespmem:s7+$0x0];
	v9 =	vsub.f32 v9, v4;
	v12 =	vnsel vm1, $0x0, v12;
	v15 =	vnsel vm15, $0x0, v15  }
0x124: {  	v14 =	vld [tilespmem:s10+$0x10];
	v8 =	vsub.f32 v8, v4;
	v7 =	vmul.f32 v12, v7;
	v11 =	vmul.f32 v15, v11  }
0x125: {  	v16 =	vld [tilespmem:s7+$0x10];
	s9 =	sadd.s32 $0x1, s9;
	vm2 =	vmand vm2, vm3;
	v10 =	vsub.f32 v10, v4;
	v9 =	vmul.f32 $1.442695020e+00, v9  }
0x126: {  	p1 =	slt.s32 s9, s6;
	v8 =	vmul.f32 $1.442695020e+00, v8;
	v12 =	vadd.f32 v12, v5;
	v17 =	vpop (erf);
	v7 =	vadd.f32 v7, v3  }
.Ltmp16:
0x127: {  	(erf) = vpow2.f32 v9;
	v9 =	vmul.f32 $1.442695020e+00, v10;
	v17 =	vnsel vm2, $0x0, v17;
	(pc) =	sbr.rel @!p1 .LBB2_27-.Ltmp16, $4  }
0x128: {  	v12 =	vadd.f32 v15, v12;
	v13 =	vmul.f32 v17, v13;
	v7 =	vadd.f32 v11, v7;
	v11 =	vpop (erf)  }
0x129: {  	(erf) = vpow2.f32 v8;
	v15 =	vsub.f32 v14, v4;
	v11 =	vnsel vm0, $0x0, v11  }
0x12a: {  	s8 =	sadd.s32 $0x40, s8;
	s7 =	sadd.s32 $0x40, s7;
	v12 =	vadd.f32 v17, v12;
	v13 =	vadd.f32 v13, v7;
	v14 =	vmul.f32 v11, v16  }
0x12b: {  	p0 =	por $0x1, $0x1;
	s10 =	sadd.s32 $0x40, s10;
	v10 =	vadd.s32 s8, v6;
	v8 =	vmul.f32 $1.442695020e+00, v15;
	v7 =	vld [tilespmem:s7+$0xFFFFFFE0]  }
.LBB2_26:
0x12c: {  	v15 =	vld [tilespmem:s10+$0x10];
	s11 =	sadd.s32 $0xFFFFFFF0, s8;
	(erf) = vpow2.f32 v9;
	v9 =	vadd.f32 v11, v12;
	v11 =	vadd.f32 v14, v13  }
0x12d: {  	s12 =	sadd.s32 $0xFFFFFFD0, s8;
	s13 =	sadd.s32 $0xFFFFFFE0, s8;
	vm0 =	vge.s32 v10, v2;
	vm1 =	vlt.s32 v10, v1;
	v12 =	vld [tilespmem:s10+$0xFFFFFFE0];
	v13 =	vadd.s32 s11, v6  }
0x12e: {  	s9 =	sadd.s32 $0x1, s9;
	v17 =	vadd.s32 s12, v6;
	v16 =	vadd.s32 s13, v6;
	v10 =	vld [tilespmem:s10+$0x0];
	(erf) = vpow2.f32 v8  }
0x12f: {  	p1 =	slt.s32 s9, s6;
	vm0 =	vmand vm0, vm1;
	vm2 =	vge.s32 v13, v2;
	vm3 =	vlt.s32 v13, v1;
	v8 =	vld [tilespmem:s10+$0xFFFFFFF0]  }
0x130: {  	vm1 =	vge.s32 v17, v2;
	vm4 =	vlt.s32 v17, v1;
	vm5 =	vge.s32 v16, v2;
	v13 =	vld [tilespmem:s7+$0xFFFFFFF0];
	v14 =	vpop (erf)  }
0x131: {  	vm1 =	vmand vm1, vm4;
	vm4 =	vlt.s32 v16, v1;
	vm2 =	vmand vm2, vm3  }
0x132: {  	v14 =	vnsel vm1, $0x0, v14;
	vm1 =	vmand vm5, vm4;
	v12 =	vsub.f32 v12, v4;
	v16 =	vld [tilespmem:s7+$0x0];
	v17 =	vpop (erf)  }
0x133: {  	v15 =	vsub.f32 v15, v4;
	v7 =	vmul.f32 v14, v7;
	v10 =	vsub.f32 v10, v4  }
0x134: {  	v17 =	vnsel vm1, $0x0, v17;
	v12 =	vmul.f32 $1.442695020e+00, v12;
	v8 =	vsub.f32 v8, v4;
	v18 =	vld [tilespmem:s7+$0x10]  }
0x135: {  	v9 =	vadd.f32 v14, v9;
	v7 =	vadd.f32 v7, v11;
	v19 =	vmul.f32 v17, v13;
	v13 =	vpop (erf)  }
.Ltmp17:
0x136: {  	v8 =	vmul.f32 $1.442695020e+00, v8;
	(erf) = vpow2.f32 v12;
	v12 =	vnsel vm2, $0x0, v13;
	(pc) =	sbr.rel @p1 .LBB2_26-.Ltmp17, $4  }
0x137: {  	v13 =	vadd.f32 v17, v9;
	v7 =	vadd.f32 v19, v7;
	v14 =	vmul.f32 v12, v16;
	v11 =	vpop (erf)  }
0x138: {  	v9 =	vmul.f32 $1.442695020e+00, v10;
	(erf) = vpow2.f32 v8;
	v11 =	vnsel vm0, $0x0, v11  }
0x139: {  	s8 =	sadd.s32 $0x40, s8;
	s7 =	sadd.s32 $0x40, s7;
	v12 =	vadd.f32 v12, v13;
	v13 =	vadd.f32 v14, v7;
	v14 =	vmul.f32 v11, v18  }
0x13a: {  	s10 =	sadd.s32 $0x40, s10;
	v10 =	vadd.s32 s8, v6;
	v8 =	vmul.f32 $1.442695020e+00, v15;
	v7 =	vld [tilespmem:s7+$0xFFFFFFE0]  }
.LBB2_27:
0x13b: {  	_ = 	snop  }
0x13c: {  	(erf) = vpow2.f32 v9;
	s6 =	sadd.s32 $0xFFFFFFF0, s8;
	v4 =	vadd.f32 @p0 v11, v12  }
0x13d: {  	v9 =	vadd.f32 @p0 v14, v13;
	s9 =	sadd.s32 $0xFFFFFFD0, s8;
	s31 =	sadd.s32 $0xFFFFFFE0, s8;
	vm0 =	vge.s32 v10, v2;
	v59 =	vadd.s32 s6, v6  }
0x13e: {  	v61 =	vld [tilespmem:s7+$0xFFFFFFF0];
	(erf) = vpow2.f32 v8;
	v60 =	vadd.s32 s9, v6;
	v6 =	vadd.s32 s31, v6  }
0x13f: {  	vm1 =	vlt.s32 v10, v1;
	vm2 =	vge.s32 v60, v2;
	vm3 =	vlt.s32 v60, v1  }
0x140: {  	vm14 =	vge.s32 v6, v2;
	vm15 =	vlt.s32 v6, v1;
	vm2 =	vmand vm2, vm3;
	v62 =	vpop (erf)  }
0x141: {  	vm4 =	vge.s32 v59, v2;
	v2 =	vnsel vm2, $0x0, v62;
	vm2 =	vmand vm14, vm15;
	v6 =	vpop (erf)  }
0x142: {  	vm5 =	vlt.s32 v59, v1;
	v1 =	vld [tilespmem:s7+$0x0];
	v4 =	vpsel p0, v4, v5;
	v6 =	vnsel vm2, $0x0, v6  }
0x143: {  	v7 =	vmul.f32 v2, v7;
	v2 =	vadd.f32 v2, v4;
	v4 =	vmul.f32 v6, v61  }
0x144: {  	v63 =	vld [tilespmem:s7+$0x10];
	v3 =	vpsel p0, v9, v3  }
0x145: {  	vm4 =	vmand vm4, vm5;
	v3 =	vadd.f32 v7, v3;
	v5 =	vpop (erf)  }
0x146: {  	vm0 =	vmand vm0, vm1;
	v5 =	vnsel vm4, $0x0, v5  }
0x147: {  	v2 =	vadd.f32 v6, v2;
	v3 =	vadd.f32 v4, v3;
	v1 =	vmul.f32 v5, v1;
	v4 =	vpop (erf)  }
0x148: {  	v4 =	vnsel vm0, $0x0, v4  }
0x149: {  	v2 =	vadd.f32 v5, v2;
	v1 =	vadd.f32 v1, v3;
	v3 =	vmul.f32 v4, v63;
	_ =	sdelay $0x1  }
0x14a: {  	v5 =	vadd.f32 v4, v2;
	v3 =	vadd.f32 v3, v1  }
.LBB2_28:
0x14b: {  	v1 =	vimm.s32 $0xFEDCBA98  }
0x14c: {  	v2 =	vimm.s32 $0x76543210;
	v1 =	vunpack.c.l.s4.s8 v1  }
0x14d: {  	v2 =	vunpack.c.l.s4.s8 v2  }
0x14e: {  	v1 =	vunpack.c.0.s8.s32 v1  }
0x14f: {  	v4 =	vimm.s32 $0xBA98FEDC;
	v6 =	vimm.s32 $0x32107654;
	v2 =	vunpack.c.0.s8.s32 v2  }
0x150: {  	v4 =	vunpack.c.l.s4.s8 v4;
	v6 =	vunpack.c.l.s4.s8 v6;
	v1 =	vand.u32 $0xF, v1  }
0x151: {  	v1 =	vcombine.low v1, v2  }
0x152: {  	v53 =	vunpack.c.0.s8.s32 v6;
	v2 =	vunpack.c.0.s8.s32 v4  }
0x153: {  	v7 =	vimm.s32 $0xDCFE98BA;
	v8 =	vimm.s32 $0x54761032;
	v54 =	vperm.xlane v5, v1  }
0x154: {  	v55 =	vunpack.c.l.s4.s8 v7;
	v56 =	vunpack.c.l.s4.s8 v8;
	v2 =	vcombine.low v53, v2  }
0x155: {  	v5 =	vadd.f32 v54, v5  }
0x156: {  	v57 =	vunpack.c.0.s8.s32 v56;
	v4 =	vunpack.c.0.s8.s32 v55;
	v2 =	vand.u32 $0xF, v2  }
0x157: {  	v59 =	vimm.s32 $0xEFCDAB89;
	v9 =	vimm.s32 $0x67452301;
	v58 =	vperm.xlane v5, v2  }
0x158: {  	v60 =	vunpack.c.l.s4.s8 v59;
	v61 =	vunpack.c.l.s4.s8 v9;
	v4 =	vcombine.low v57, v4  }
0x159: {  	v5 =	vadd.f32 v58, v5  }
0x15a: {  	v6 =	vunpack.c.0.s8.s32 v60;
	v62 =	vunpack.c.0.s8.s32 v61;
	v4 =	vand.u32 $0xF, v4  }
0x15b: {  	v63 =	vperm.xlane v5, v4  }
0x15c: {  	v6 =	vcombine.low v62, v6;
	v1 =	vperm.xlane v3, v1  }
0x15d: {  	v5 =	vadd.f32 v63, v5  }
0x15e: {  	v6 =	vand.u32 $0xF, v6;
	v1 =	vadd.f32 v1, v3  }
0x15f: {  	v3 =	vperm.xlane v5, v6  }
0x160: {  	v2 =	vperm.xlane v1, v2  }
0x161: {  	v3 =	vadd.f32 v3, v5  }
0x162: {  	v1 =	vadd.f32 v2, v1  }
0x163: {  	(erf) = vrcp.f32 v3  }
0x164: {  	v2 =	vperm.xlane v1, v4;
	_ =	sdelay $0x1  }
0x165: {  	v1 =	vadd.f32 v2, v1;
	_ =	sdelay $0x1  }
0x166: {  	v2 =	vperm.xlane v1, v6;
	_ =	sdelay $0x2  }
0x167: {  	v1 =	vadd.f32 v2, v1  }
0x168: {  	v2 =	vpop (erf)  }
0x169: {  	v1 =	vmul.f32 v1, v2;
	_ =	sdelay $0x1  }
0x16a: {  	v2 =	vlaneseq.u32;
	v1 =	vmul.f32 $1.737177890e+02, v1  }
0x16b: {  	vm0 =	veq.s32 v0, v2  }
0x16c: {  	v1 =	vnsel vm0, $0x0, v1  }
.LBB2_29:
0x16d: {  	[tilespmem:$0x2180] =	vst v1;
	s6 =	simm.s32 $0x2180  }
0x16e: {  	[spmem:s5] =	stream.linear.scatter [tilespmem:s6], [sflag:$0x3], $0x10, $0x38;
	[tilespmem:$0x2310] =	vst v63  }
0x16f: {  	_ =	swait.ge [sflag:s4], $0x10  }
0x170: {  	[sflag:s4] =	ssyncset.done $0x0  }
0x171: {  	p0 =	sne.s32 s2, $0x0;
	[sflag:s4] =	ssyncadd.s32 $0xFFFFFFF0  }
0x172: {  	s4 =	simm.s32 @!p0 $0x2200;
	[bflag:$0x0] =	sbarrier.arrive $0xFFFF  }
0x173: {  	[tilespmem:s4], [sflag:$0x3] =	stream.linear.gather @!p0 [spmem:s3], $0x100, $0x38;
	[tilespmem:$0x2310] =	vst v63  }
0x174: {  	s3 =	simm.s32 @!p0 $0x3  }
0x175: {  	_ =	swait.ge @!p0 [sflag:s3], $0x100  }
0x176: {  	[sflag:s3] =	ssyncset.done @!p0 $0x0  }
0x177: {  	[sflag:s3] =	ssyncadd.s32 @!p0 $0xFFFFFF00  }
0x178: {  	v0 =	vld @!p0 [tilespmem:$0x2200]  }
0x179: {  	v1 =	vld @!p0 [tilespmem:$0x2210];
	_ =	sdelay $0x1  }
0x17a: {  	v2 =	vld @!p0 [tilespmem:$0x2220];
	_ =	sdelay $0x1  }
0x17b: {  	v3 =	vld @!p0 [tilespmem:$0x2230]  }
0x17c: {  	v0 =	vadd.f32 @!p0 v1, v0  }
0x17d: {  	v1 =	vld @!p0 [tilespmem:$0x2240]  }
0x17e: {  	v0 =	vadd.f32 @!p0 v2, v0  }
0x17f: {  	v2 =	vld @!p0 [tilespmem:$0x2250]  }
0x180: {  	v0 =	vadd.f32 @!p0 v3, v0  }
0x181: {  	v3 =	vld @!p0 [tilespmem:$0x2260]  }
0x182: {  	v0 =	vadd.f32 @!p0 v1, v0  }
0x183: {  	v1 =	vld @!p0 [tilespmem:$0x2270]  }
0x184: {  	v0 =	vadd.f32 @!p0 v2, v0  }
0x185: {  	v2 =	vld @!p0 [tilespmem:$0x2280]  }
0x186: {  	v0 =	vadd.f32 @!p0 v3, v0  }
0x187: {  	v3 =	vld @!p0 [tilespmem:$0x2290]  }
0x188: {  	v0 =	vadd.f32 @!p0 v1, v0  }
0x189: {  	v1 =	vld @!p0 [tilespmem:$0x22A0]  }
0x18a: {  	v0 =	vadd.f32 @!p0 v2, v0  }
0x18b: {  	v2 =	vld @!p0 [tilespmem:$0x22B0]  }
0x18c: {  	v0 =	vadd.f32 @!p0 v3, v0  }
0x18d: {  	v3 =	vld @!p0 [tilespmem:$0x22C0]  }
0x18e: {  	v0 =	vadd.f32 @!p0 v1, v0  }
0x18f: {  	v1 =	vld @!p0 [tilespmem:$0x22D0]  }
0x190: {  	v0 =	vadd.f32 @!p0 v2, v0  }
0x191: {  	v2 =	vld @!p0 [tilespmem:$0x22E0]  }
0x192: {  	v0 =	vadd.f32 @!p0 v3, v0  }
0x193: {  	v3 =	vld @!p0 [tilespmem:$0x22F0]  }
0x194: {  	v0 =	vadd.f32 @!p0 v1, v0;
	_ =	sdelay $0x1  }
0x195: {  	v0 =	vadd.f32 @!p0 v2, v0;
	_ =	sdelay $0x1  }
0x196: {  	v0 =	vadd.f32 @!p0 v3, v0;
	_ =	sdelay $0x1  }
0x197: {  	s5 =	simm.s32 @!p0 $0x2180;
	s4 =	simm.s32 @!p0 $0x0;
	[tilespmem:$0x2180] =	vst @!p0 v0  }
0x198: {  	[hbm4b:s1+s4] =	stream.linear.scatter @!p0 [tilespmem:s5], [sflag:$0x3], $0x80, $0x38;
	[tilespmem:$0x2310] =	vst v63  }
0x199: {  	_ =	swait.ge @!p0 [sflag:s3], $0x80  }
0x19a: {  	[sflag:s3] =	ssyncset.done @!p0 $0x0  }
0x19b: {  	[sflag:s3] =	ssyncadd.s32 @!p0 $0xFFFFFF80  }
.LBB2_30:
0x19c: {  	_ =	sfence.sel $0x180000  }
0x19d: {  	[bflag:$0x0] =	sbarrier.arrive $0xFFFF  }
0x19e: {  	p0 =	sne.s32 s2, $0x0;
	_ =	strace $0x90000047  }
0x19f: {  	s0 =	sadd.s32 @!p0 $0x100000, s0;
	[bflag:$0x2] =	sbarrier.arrive $0xFFFF  }
0x1a0: {  	[sflag:s0] =	ssyncadd.tile.s32 @!p0 $0x1;
	_ =	shalt  }
.LBB2_12:
.Ltmp18:
0x1a1: {  	(pc) =	sbr.rel .LBB2_24-.Ltmp18, $2  }
0x1a2: {  	_ =	sdelay $0x2  }
0x1a3: {  	s13 =	smov.u32 s11  }
.LBB2_15:
.Ltmp19:
0x1a4: {  	(pc) =	sbr.rel .LBB2_27-.Ltmp19, $2  }
0x1a5: {  	_ =	sdelay $0x2  }
0x1a6: {  	_ = 	snop  }
.LBB2_17:
.Ltmp20:
0x1a7: {  	(pc) =	sbr.rel .LBB2_24-.Ltmp20, $2  }
0x1a8: {  	_ =	sdelay $0x2  }
0x1a9: {  	s13 =	smov.u32 s11  }
.LBB2_19:
.Ltmp21:
0x1aa: {  	_ = 	snop;
	(pc) =	sbr.rel .LBB2_24-.Ltmp21, $2  }
0x1ab: {  	_ =	sdelay $0x2  }
0x1ac: {  	s13 =	smov.u32 s11;
	v14 =	vmov v6;
	v17 =	vmov v7  }
.LBB2_21:
.Ltmp22:
0x1ad: {  	(pc) =	sbr.rel .LBB2_24-.Ltmp22, $1  }
0x1ae: {  	_ =	sdelay $0x3  }
.Lfunc_end2:
_tile_overlayer_lowered:
.L_overlay_start_2:
0x1af: {  	(tag) =	ssettag $0x2  }
0x1b0: {  	s0 =	rddreg [dreg:$0x0];
	s2 =	stileid.u32  }
0x1b1: {  	s1 =	rddreg [dreg:$0x1];
	p0 =	sne.s32 s2, $0x0  }
0x1b2: {  	s3 =	rddreg [dreg:$0x2];
	[bflag:$0x3] =	sbarrier.arrive $0xFFFF;
	s2 =	simm.s32 @!p0 $0x1C03  }
0x1b3: {  	[timem:s3], [sflag:s2] =	dma.local @!p0 [hbm:s0], s1  }
0x1b4: {  	s0 =	simm.s32 @!p0 $0x3  }
0x1b5: {  	_ =	swait.ge @!p0 [sflag:s0], s1  }
0x1b6: {  	s1 =	ssub.s32 @!p0 $0x0, s1;
	[sflag:s0] =	ssyncset.done @!p0 $0x0  }
0x1b7: {  	[sflag:s0] =	ssyncadd.s32 @!p0 s1  }
0x1b8: {  	[bflag:$0x3] =	sbarrier.arrive $0xFFFF  }
0x1b9: {  	_ =	shalt  }

</sc_bundles>
